<compile_context>
chip_gen: v7x
topology: tpu7x:2x2x1
jax: 0.10.2.dev20260603
libtpu: 0.0.44.dev20260713+nightly
codegen_flags: <defaults>
</compile_context>

<pallas_src>
import functools

import jax
import jax.numpy as jnp
from jax import lax
from jax.experimental import pallas as pl
from jax.experimental.pallas import tpu as pltpu
from jax.experimental.pallas import tpu_sc as plsc

NC = 2
NS = 16
NW = NC * NS
CHUNK = 128
NBUF = 2


def _sc_degree(dst_blocks, ones_c, zeros_flat, n_acc, k_per_core):
    K = dst_blocks.shape[1]
    rpt = n_acc // NS

    @functools.partial(
        pl.kernel,
        out_type=jax.ShapeDtypeStruct((NC * n_acc,), jnp.float32),
        mesh=plsc.VectorSubcoreMesh(core_axis_name="c", subcore_axis_name="s"),
        scratch_types=[
            pltpu.VMEM((K, CHUNK), jnp.int32),
            pltpu.VMEM((CHUNK,), jnp.float32),
            pltpu.VMEM((rpt,), jnp.float32),
            pltpu.VMEM_SHARED((n_acc,), jnp.float32),
        ],
    )
    def deg_kernel(dst_hbm, ones_hbm, zeros_hbm, out_hbm, dst_v, ones_v,
                   stage_v, deg_sh):
        c = lax.axis_index("c")
        s = lax.axis_index("s")
        wid = c * NS + s
        kc = jnp.where(c == 0, k_per_core[0], k_per_core[1])
        pltpu.sync_copy(zeros_hbm, stage_v)
        pltpu.sync_copy(stage_v, deg_sh.at[pl.ds(s * rpt, rpt)])
        pltpu.sync_copy(dst_hbm.at[wid], dst_v)
        pltpu.sync_copy(ones_hbm, ones_v)
        plsc.subcore_barrier()

        def body(j, carry):
            pltpu.sync_copy(ones_v, deg_sh.at[dst_v.at[j]], add=True)
            return carry

        lax.fori_loop(0, kc, body, 0)
        plsc.subcore_barrier()
        pltpu.sync_copy(deg_sh.at[pl.ds(s * rpt, rpt)], stage_v)
        pltpu.sync_copy(stage_v, out_hbm.at[pl.ds(c * n_acc + s * rpt, rpt)])

    return deg_kernel(dst_blocks, ones_c, zeros_flat)


def _sc_aggregate(hs, src_blocks, dst_blocks, zeros_rows, n_acc, k_per_core):
    H = hs.shape[1]
    rpt = n_acc // NS

    assert min(k_per_core) >= 2 and rpt % CHUNK == 0
    assert all(k % NBUF == 0 for k in k_per_core)

    @functools.partial(
        pl.kernel,
        out_type=jax.ShapeDtypeStruct((NC * n_acc, H), jnp.float32),
        mesh=plsc.VectorSubcoreMesh(core_axis_name="c", subcore_axis_name="s"),
        scratch_types=[
            pltpu.VMEM((NBUF, CHUNK), jnp.int32),
            pltpu.VMEM((NBUF, CHUNK), jnp.int32),
            pltpu.VMEM((NBUF, CHUNK, H), jnp.float32),
            pltpu.VMEM_SHARED((n_acc, H), jnp.float32),
        ] + [pltpu.SemaphoreType.DMA] * (3 * NBUF),
    )
    def agg_kernel(hs_hbm, src_hbm, dst_hbm, zrows_hbm, out_hbm,
                   src_v, dst_v, rows_v, acc_sh, *sems):
        isem = sems[:NBUF]
        dsem = sems[NBUF:2 * NBUF]
        gsem = sems[2 * NBUF:]
        c = lax.axis_index("c")
        s = lax.axis_index("s")
        wid = c * NS + s
        kc = jnp.where(c == 0, k_per_core[0], k_per_core[1])
        pltpu.sync_copy(zrows_hbm, rows_v.at[0])
        for z in range(rpt // CHUNK):
            pltpu.sync_copy(rows_v.at[0],
                            acc_sh.at[pl.ds(s * rpt + z * CHUNK, CHUNK)])
        plsc.subcore_barrier()

        def src_start(j, bi):
            pltpu.async_copy(src_hbm.at[wid, j], src_v.at[bi], isem[bi])

        def src_wait(j, bi):
            pltpu.make_async_copy(src_hbm.at[wid, j], src_v.at[bi],
                                  isem[bi]).wait()

        def dst_start(j, bi):
            pltpu.async_copy(dst_hbm.at[wid, j], dst_v.at[bi], dsem[bi])

        def dst_wait(j, bi):
            pltpu.make_async_copy(dst_hbm.at[wid, j], dst_v.at[bi],
                                  dsem[bi]).wait()

        def gather_start(bi):
            pltpu.async_copy(hs_hbm.at[src_v.at[bi]], rows_v.at[bi],
                             gsem[bi])

        def gather_wait(bi):
            pltpu.make_async_copy(hs_hbm.at[src_v.at[bi]], rows_v.at[bi],
                                  gsem[bi]).wait()

        for bi in range(NBUF):
            src_start(bi, bi)
            dst_start(bi, bi)
        for bi in range(NBUF - 1):
            src_wait(bi, bi)
            gather_start(bi)

        def group(g, carry):
            for bi in range(NBUF):
                j = g * NBUF + bi
                bn = (bi + NBUF - 1) % NBUF

                @pl.when(j + NBUF - 1 < kc)
                def _():
                    src_wait(j + NBUF - 1, bn)
                    gather_start(bn)

                gather_wait(bi)
                dst_wait(j, bi)
                pltpu.sync_copy(rows_v.at[bi], acc_sh.at[dst_v.at[bi]],
                                add=True)

                @pl.when(j + NBUF < kc)
                def _():
                    src_start(j + NBUF, bi)
                    dst_start(j + NBUF, bi)
            return carry

        lax.fori_loop(0, kc // NBUF, group, 0)
        plsc.subcore_barrier()
        for z in range(rpt // CHUNK):
            bi = z % NBUF
            pltpu.sync_copy(acc_sh.at[pl.ds(s * rpt + z * CHUNK, CHUNK)],
                            rows_v.at[bi])
            pltpu.sync_copy(
                rows_v.at[bi],
                out_hbm.at[pl.ds(c * n_acc + s * rpt + z * CHUNK, CHUNK)])

    return agg_kernel(hs, src_blocks, dst_blocks, zeros_rows)


def _tc_prep(x, W, deg0, deg1, rows_blk):
    N, D = x.shape
    H = W.shape[1]
    grid = N // rows_blk

    def body(x_ref, w_ref, d0_ref, d1_ref, hs_ref, dinv_ref):
        dinv = lax.rsqrt(d0_ref[...] + d1_ref[...] + 1.0)
        h = jnp.dot(x_ref[...], w_ref[...],
                    preferred_element_type=jnp.float32)
        hs_ref[...] = h * dinv
        dinv_ref[...] = dinv

    return pl.pallas_call(
        body,
        grid=(grid,),
        in_specs=[
            pl.BlockSpec((rows_blk, D), lambda i: (i, 0)),
            pl.BlockSpec((D, H), lambda i: (0, 0)),
            pl.BlockSpec((rows_blk, 1), lambda i: (i, 0)),
            pl.BlockSpec((rows_blk, 1), lambda i: (i, 0)),
        ],
        out_specs=[
            pl.BlockSpec((rows_blk, H), lambda i: (i, 0)),
            pl.BlockSpec((rows_blk, 1), lambda i: (i, 0)),
        ],
        out_shape=[
            jax.ShapeDtypeStruct((N, H), jnp.float32),
            jax.ShapeDtypeStruct((N, 1), jnp.float32),
        ],
    )(x, W, deg0, deg1)


def _tc_epilogue(acc, hs, dinv, b2, n_acc, rows_blk):
    NP, H = hs.shape
    grid = NP // rows_blk
    off = n_acc // rows_blk

    def body(a0_ref, a1_ref, hs_ref, dinv_ref, b_ref, out_ref):
        t = (a0_ref[...] + a1_ref[...] + hs_ref[...]) * dinv_ref[...]
        t = t + b_ref[...]
        out_ref[...] = jnp.where(t > 0.0, t,
                                 jnp.exp(jnp.minimum(t, 0.0)) - 1.0)

    return pl.pallas_call(
        body,
        grid=(grid,),
        in_specs=[
            pl.BlockSpec((rows_blk, H), lambda i: (i, 0)),
            pl.BlockSpec((rows_blk, H), lambda i: (off + i, 0)),
            pl.BlockSpec((rows_blk, H), lambda i: (i, 0)),
            pl.BlockSpec((rows_blk, 1), lambda i: (i, 0)),
            pl.BlockSpec((1, H), lambda i: (0, 0)),
        ],
        out_specs=pl.BlockSpec((rows_blk, H), lambda i: (i, 0)),
        out_shape=jax.ShapeDtypeStruct((NP, H), jnp.float32),
    )(acc, acc, hs, dinv, b2)


def kernel(x, edge_index, W, b):
    N, D = x.shape
    H = W.shape[1]
    E = edge_index.shape[1]

    frac1 = 0.5
    e1_pt = ((int(E * frac1) // NS) // (CHUNK * NBUF)) * (CHUNK * NBUF)
    e1_pt = max(e1_pt, CHUNK * NBUF)
    K1 = e1_pt // CHUNK
    e0_pt_real = (E - NS * e1_pt) // NS
    K0 = ((e0_pt_real + CHUNK * NBUF - 1) // (CHUNK * NBUF)) * NBUF
    n_acc = ((N + 1 + NS * CHUNK - 1) // (NS * CHUNK)) * (NS * CHUNK)

    src = edge_index[0]
    dst = edge_index[1]

    def blockify(seg, n_pt, k_chunks, fill):
        a = seg.reshape(NS, n_pt)
        a = jnp.pad(a, ((0, 0), (0, k_chunks * CHUNK - n_pt)),
                    constant_values=fill)
        return a.reshape(NS, k_chunks, CHUNK)

    e0_tot = NS * e0_pt_real
    blocks = []
    for arr, fill in ((src, 0), (dst, N)):
        b0 = blockify(arr[:e0_tot], e0_pt_real, K0, fill)
        b1 = blockify(arr[e0_tot:], e1_pt, K1, fill)
        b1 = jnp.pad(b1, ((0, 0), (0, K0 - K1), (0, 0)),
                     constant_values=fill)
        blocks.append(jnp.concatenate([b0, b1], axis=0))
    src_blocks, dst_blocks = blocks
    k_per_core = (K0, K1)

    ones_c = jnp.ones((CHUNK,), jnp.float32)
    zeros_flat = jnp.zeros((n_acc // NS,), jnp.float32)
    zeros_rows = jnp.zeros((CHUNK, H), jnp.float32)

    deg_flat = _sc_degree(dst_blocks, ones_c, zeros_flat, n_acc, k_per_core)
    deg0 = deg_flat[:n_acc].reshape(n_acc, 1)
    deg1 = deg_flat[n_acc:].reshape(n_acc, 1)

    x_pad = jnp.pad(x, ((0, n_acc - N), (0, 0)))
    hs, dinv = _tc_prep(x_pad, W, deg0, deg1, rows_blk=1024)

    acc = _sc_aggregate(hs, src_blocks, dst_blocks, zeros_rows, n_acc,
                        k_per_core)

    b2 = b.reshape(1, H)
    out = _tc_epilogue(acc, hs, dinv, b2, n_acc, rows_blk=1024)
    return out[:N]

# --- scband reference (transcript-rebuilt; emitter-appended) ---
"""Pipeline reference for scband-graph-encoder-90726889160783 (READ-ONLY COPY).

The authoritative reference and input builder live on the scoring server;
editing this copy changes nothing except your own understanding.
"""

import jax, jax.numpy as jnp
import numpy as np

N_NODES = 10000
N_EDGES = 320000
D_FEAT = 128
HIDDEN = 128


def setup_inputs(seed: int = 0) -> dict:
    key = jax.random.key(seed)
    k1, k2, k3 = jax.random.split(key, 3)
    x = jax.random.normal(k1, (N_NODES, D_FEAT), dtype=jnp.float32)
    edge_index = jax.random.randint(k2, (2, N_EDGES), 0, N_NODES, dtype=jnp.int32)
    # GCNConv linear weight (PyG stores [out,in]; here [in,out] so we do x @ W) and bias
    W = jax.random.normal(k3, (D_FEAT, HIDDEN), dtype=jnp.float32) * 0.05
    b = jnp.zeros((HIDDEN,), dtype=jnp.float32)
    return {"x": x, "edge_index": edge_index, "W": W, "b": b}


def reference(x, edge_index, W, b):
    # GraphEncoder with encoder='gcn' and a single ('entity','to','entity') relation.
    # HeteroConv with one relation + aggr='sum' reduces to a single GCNConv, then ELU.
    # Dropout p=0.0 is the identity.
    N = x.shape[0]
    src = edge_index[0]
    dst = edge_index[1]
    # add_self_loops=True
    loop = jnp.arange(N, dtype=src.dtype)
    src = jnp.concatenate([src, loop])
    dst = jnp.concatenate([dst, loop])
    ew = jnp.ones(src.shape[0], dtype=x.dtype)
    # normalize=True: symmetric GCN normalization deg^{-1/2} A deg^{-1/2}
    deg = jnp.zeros((N,), dtype=x.dtype).at[dst].add(ew)
    dinv = jnp.where(deg > 0, deg ** -0.5, 0.0)
    norm = dinv[src] * dinv[dst]
    # linear transform (GCNConv lin has no bias; bias added after aggregation)
    h = x @ W
    # message = norm * h[src]; aggregate = scatter-add onto dst
    msg = jnp.take(h, src, axis=0) * norm[:, None]
    out = jnp.zeros((N, h.shape[1]), dtype=x.dtype).at[dst].add(msg)
    out = out + b
    # F.elu, then dropout(p=0.0) identity
    out = jax.nn.elu(out)
    return out

if __name__ == "__main__":
    import jax
    _d = setup_inputs()
    print(jax.jit(kernel)(*tuple(_d.values())))

</pallas_src>

<mosaic_0001>
#map = affine_map<(d0, d1) -> (0, 0, 0)>
#map1 = affine_map<(d0, d1) -> (0)>
module attributes {stable_mosaic.version = 14 : i64} {
  func.func @deg_kernel(%arg0: i32, %arg1: i32, %arg2: memref<32x80x128xi32, #tpu.memory_space<hbm>>, %arg3: memref<128xf32, #tpu.memory_space<hbm>>, %arg4: memref<640xf32, #tpu.memory_space<hbm>>, %arg5: memref<20480xf32, #tpu.memory_space<hbm>>, %arg6: memref<80x128xi32, #tpu.memory_space<vmem>>, %arg7: memref<128xf32, #tpu.memory_space<vmem>>, %arg8: memref<640xf32, #tpu.memory_space<vmem>>, %arg9: memref<10240xf32, #tpu.memory_space<vmem_shared>>) attributes {dimension_semantics = [#tpu.dimension_semantics<core_parallel>, #tpu.dimension_semantics<subcore_parallel>], iteration_bounds = array<i64: 2, 16>, scalar_prefetch = 0 : i64, scratch_operands = 4 : i64, tpu.core_type = #tpu.core_type<sc_vector_subcore>, window_params = [{transform_indices = #map}, {transform_indices = #map1}, {transform_indices = #map1}, {transform_indices = #map1}]} {
    %mul3A = arith.constant 16 : i32
    %mul3A_0 = arith.muli %arg0, %mul3A : i32
    %add3A = arith.addi %mul3A_0, %arg1 : i32
    %eq3A = arith.constant 0 : i32
    %eq3A_1 = arith.cmpi eq, %arg0, %eq3A : i32
    %jit3A = arith.constant 80 : i32
    %jit3A_2 = arith.constant 78 : i32
    %select_n3A = arith.select %eq3A_1, %jit3A, %jit3A_2 : i32
    "tpu.region"() ({
      %run_scoped3A = tpu.sem_alloc : memref<!tpu.dma_semaphore, #tpu.memory_space<semaphore_mem>>
      tpu.enqueue_dma source(%arg4 : memref<640xf32, #tpu.memory_space<hbm>>) target(%arg8 : memref<640xf32, #tpu.memory_space<vmem>>) target_semaphore(%run_scoped3A : memref<!tpu.dma_semaphore, #tpu.memory_space<semaphore_mem>>)
      tpu.wait_dma2 semaphore(%run_scoped3A : memref<!tpu.dma_semaphore, #tpu.memory_space<semaphore_mem>>) src(%arg4 : memref<640xf32, #tpu.memory_space<hbm>>) dst(%arg8 : memref<640xf32, #tpu.memory_space<vmem>>)
      tpu.yield
    }) : () -> ()
    %mul3A_3 = arith.constant 640 : i32
    %mul3A_4 = arith.muli %arg1, %mul3A_3 : i32
    "tpu.region"() ({
      %run_scoped3A = tpu.sem_alloc : memref<!tpu.dma_semaphore, #tpu.memory_space<semaphore_mem>>
      %dma_start3A = tpu.memref_slice %arg9[%mul3A_4] : memref<10240xf32, #tpu.memory_space<vmem_shared>> -> memref<640xf32, #tpu.memory_space<vmem_shared>>
      %dma_start3A_22 = tpu.memref_slice %arg9[%mul3A_4] : memref<10240xf32, #tpu.memory_space<vmem_shared>> -> memref<640xf32, #tpu.memory_space<vmem_shared>>
      tpu.enqueue_dma source(%arg8 : memref<640xf32, #tpu.memory_space<vmem>>) target(%dma_start3A_22 : memref<640xf32, #tpu.memory_space<vmem_shared>>) target_semaphore(%run_scoped3A : memref<!tpu.dma_semaphore, #tpu.memory_space<semaphore_mem>>)
      %dma_wait3A = tpu.memref_slice %arg9[%mul3A_4] : memref<10240xf32, #tpu.memory_space<vmem_shared>> -> memref<640xf32, #tpu.memory_space<vmem_shared>>
      %dma_wait3A_23 = tpu.memref_slice %arg9[%mul3A_4] : memref<10240xf32, #tpu.memory_space<vmem_shared>> -> memref<640xf32, #tpu.memory_space<vmem_shared>>
      tpu.wait_dma2 semaphore(%run_scoped3A : memref<!tpu.dma_semaphore, #tpu.memory_space<semaphore_mem>>) src(%arg8 : memref<640xf32, #tpu.memory_space<vmem>>) dst(%dma_wait3A_23 : memref<640xf32, #tpu.memory_space<vmem_shared>>)
      tpu.yield
    }) : () -> ()
    "tpu.region"() ({
      %run_scoped3A = tpu.sem_alloc : memref<!tpu.dma_semaphore, #tpu.memory_space<semaphore_mem>>
      %dma_start3A = arith.constant 0 : i32
      %dma_start3A_22 = arith.constant 0 : i32
      %dma_start3A_23 = tpu.memref_slice %arg2[%add3A, %dma_start3A, %dma_start3A_22] : memref<32x80x128xi32, #tpu.memory_space<hbm>> -> memref<1x80x128xi32, #tpu.memory_space<hbm>>
      %dma_start3A_24 = tpu.memref_squeeze %dma_start3A_23 : memref<1x80x128xi32, #tpu.memory_space<hbm>> -> memref<80x128xi32, #tpu.memory_space<hbm>>
      %dma_start3A_25 = arith.constant 0 : i32
      %dma_start3A_26 = arith.constant 0 : i32
      %dma_start3A_27 = tpu.memref_slice %arg2[%add3A, %dma_start3A_25, %dma_start3A_26] : memref<32x80x128xi32, #tpu.memory_space<hbm>> -> memref<1x80x128xi32, #tpu.memory_space<hbm>>
      %dma_start3A_28 = tpu.memref_squeeze %dma_start3A_27 : memref<1x80x128xi32, #tpu.memory_space<hbm>> -> memref<80x128xi32, #tpu.memory_space<hbm>>
      tpu.enqueue_dma source(%dma_start3A_28 : memref<80x128xi32, #tpu.memory_space<hbm>>) target(%arg6 : memref<80x128xi32, #tpu.memory_space<vmem>>) target_semaphore(%run_scoped3A : memref<!tpu.dma_semaphore, #tpu.memory_space<semaphore_mem>>)
      %dma_wait3A = arith.constant 0 : i32
      %dma_wait3A_29 = arith.constant 0 : i32
      %dma_wait3A_30 = tpu.memref_slice %arg2[%add3A, %dma_wait3A, %dma_wait3A_29] : memref<32x80x128xi32, #tpu.memory_space<hbm>> -> memref<1x80x128xi32, #tpu.memory_space<hbm>>
      %dma_wait3A_31 = tpu.memref_squeeze %dma_wait3A_30 : memref<1x80x128xi32, #tpu.memory_space<hbm>> -> memref<80x128xi32, #tpu.memory_space<hbm>>
      %dma_wait3A_32 = arith.constant 0 : i32
      %dma_wait3A_33 = arith.constant 0 : i32
      %dma_wait3A_34 = tpu.memref_slice %arg2[%add3A, %dma_wait3A_32, %dma_wait3A_33] : memref<32x80x128xi32, #tpu.memory_space<hbm>> -> memref<1x80x128xi32, #tpu.memory_space<hbm>>
      %dma_wait3A_35 = tpu.memref_squeeze %dma_wait3A_34 : memref<1x80x128xi32, #tpu.memory_space<hbm>> -> memref<80x128xi32, #tpu.memory_space<hbm>>
      tpu.wait_dma2 semaphore(%run_scoped3A : memref<!tpu.dma_semaphore, #tpu.memory_space<semaphore_mem>>) src(%dma_wait3A_35 : memref<80x128xi32, #tpu.memory_space<hbm>>) dst(%arg6 : memref<80x128xi32, #tpu.memory_space<vmem>>)
      tpu.yield
    }) : () -> ()
    "tpu.region"() ({
      %run_scoped3A = tpu.sem_alloc : memref<!tpu.dma_semaphore, #tpu.memory_space<semaphore_mem>>
      tpu.enqueue_dma source(%arg3 : memref<128xf32, #tpu.memory_space<hbm>>) target(%arg7 : memref<128xf32, #tpu.memory_space<vmem>>) target_semaphore(%run_scoped3A : memref<!tpu.dma_semaphore, #tpu.memory_space<semaphore_mem>>)
      tpu.wait_dma2 semaphore(%run_scoped3A : memref<!tpu.dma_semaphore, #tpu.memory_space<semaphore_mem>>) src(%arg3 : memref<128xf32, #tpu.memory_space<hbm>>) dst(%arg7 : memref<128xf32, #tpu.memory_space<vmem>>)
      tpu.yield
    }) : () -> ()
    %barrier3A = arith.constant 0 : index
    tpu.barrier barrier_id(%barrier3A)
    %while3A = arith.constant 0 : i32
    %while3A_5 = arith.constant 0 : i32
    %while3A_6 = arith.subi %select_n3A, %while3A_5 : i32
    %while3A_7 = arith.addi %while3A_5, %while3A_6 : i32
    %while3A_8 = arith.constant 1 : i32
    %while3A_9 = arith.divsi %while3A_6, %while3A_8 : i32
    %while3A_10 = arith.muli %while3A_9, %while3A_8 : i32
    %while3A_11 = arith.addi %while3A_5, %while3A_10 : i32
    %while3A_12 = arith.constant 1 : i32
    scf.for %while3A_22 = %while3A_5 to %while3A_11 step %while3A_12  : i32 {
      "tpu.region"() ({
        %run_scoped3A = tpu.sem_alloc : memref<!tpu.dma_semaphore, #tpu.memory_space<semaphore_mem>>
        %dma_start3A = arith.constant 0 : i32
        %dma_start3A_23 = tpu.memref_slice %arg6[%while3A_22, %dma_start3A] : memref<80x128xi32, #tpu.memory_space<vmem>> -> memref<1x128xi32, #tpu.memory_space<vmem>>
        %dma_start3A_24 = tpu.memref_squeeze %dma_start3A_23 : memref<1x128xi32, #tpu.memory_space<vmem>> -> memref<128xi32, #tpu.memory_space<vmem>>
        %dma_start3A_25 = arith.constant 0 : i32
        %dma_start3A_26 = tpu.memref_slice %arg9[%dma_start3A_25] : memref<10240xf32, #tpu.memory_space<vmem_shared>> -> memref<10240xf32, #tpu.memory_space<vmem_shared>>
        tpu.enqueue_indirect_dma source(%arg7 : memref<128xf32, #tpu.memory_space<vmem>>) target(%dma_start3A_26 : memref<10240xf32, #tpu.memory_space<vmem_shared>>) offsets(%dma_start3A_24 : memref<128xi32, #tpu.memory_space<vmem>>) semaphore(%run_scoped3A : memref<!tpu.dma_semaphore, #tpu.memory_space<semaphore_mem>>) {add = true}
        %dma_wait3A = arith.constant 0 : i32
        %dma_wait3A_27 = tpu.memref_slice %arg6[%while3A_22, %dma_wait3A] : memref<80x128xi32, #tpu.memory_space<vmem>> -> memref<1x128xi32, #tpu.memory_space<vmem>>
        %dma_wait3A_28 = tpu.memref_squeeze %dma_wait3A_27 : memref<1x128xi32, #tpu.memory_space<vmem>> -> memref<128xi32, #tpu.memory_space<vmem>>
        %dma_wait3A_29 = arith.constant 0 : i32
        %dma_wait3A_30 = tpu.memref_slice %arg9[%dma_wait3A_29] : memref<10240xf32, #tpu.memory_space<vmem_shared>> -> memref<10240xf32, #tpu.memory_space<vmem_shared>>
        tpu.wait_indirect_dma semaphore(%run_scoped3A : memref<!tpu.dma_semaphore, #tpu.memory_space<semaphore_mem>>) src(%arg7 : memref<128xf32, #tpu.memory_space<vmem>>) dst(%dma_wait3A_30 : memref<10240xf32, #tpu.memory_space<vmem_shared>>)
        tpu.yield
      }) : () -> ()
    }
    %while3A_13 = arith.constant 1 : i32
    scf.for %while3A_22 = %while3A_11 to %while3A_7 step %while3A_13  : i32 {
      "tpu.region"() ({
        %run_scoped3A = tpu.sem_alloc : memref<!tpu.dma_semaphore, #tpu.memory_space<semaphore_mem>>
        %dma_start3A = arith.constant 0 : i32
        %dma_start3A_23 = tpu.memref_slice %arg6[%while3A_22, %dma_start3A] : memref<80x128xi32, #tpu.memory_space<vmem>> -> memref<1x128xi32, #tpu.memory_space<vmem>>
        %dma_start3A_24 = tpu.memref_squeeze %dma_start3A_23 : memref<1x128xi32, #tpu.memory_space<vmem>> -> memref<128xi32, #tpu.memory_space<vmem>>
        %dma_start3A_25 = arith.constant 0 : i32
        %dma_start3A_26 = tpu.memref_slice %arg9[%dma_start3A_25] : memref<10240xf32, #tpu.memory_space<vmem_shared>> -> memref<10240xf32, #tpu.memory_space<vmem_shared>>
        tpu.enqueue_indirect_dma source(%arg7 : memref<128xf32, #tpu.memory_space<vmem>>) target(%dma_start3A_26 : memref<10240xf32, #tpu.memory_space<vmem_shared>>) offsets(%dma_start3A_24 : memref<128xi32, #tpu.memory_space<vmem>>) semaphore(%run_scoped3A : memref<!tpu.dma_semaphore, #tpu.memory_space<semaphore_mem>>) {add = true}
        %dma_wait3A = arith.constant 0 : i32
        %dma_wait3A_27 = tpu.memref_slice %arg6[%while3A_22, %dma_wait3A] : memref<80x128xi32, #tpu.memory_space<vmem>> -> memref<1x128xi32, #tpu.memory_space<vmem>>
        %dma_wait3A_28 = tpu.memref_squeeze %dma_wait3A_27 : memref<1x128xi32, #tpu.memory_space<vmem>> -> memref<128xi32, #tpu.memory_space<vmem>>
        %dma_wait3A_29 = arith.constant 0 : i32
        %dma_wait3A_30 = tpu.memref_slice %arg9[%dma_wait3A_29] : memref<10240xf32, #tpu.memory_space<vmem_shared>> -> memref<10240xf32, #tpu.memory_space<vmem_shared>>
        tpu.wait_indirect_dma semaphore(%run_scoped3A : memref<!tpu.dma_semaphore, #tpu.memory_space<semaphore_mem>>) src(%arg7 : memref<128xf32, #tpu.memory_space<vmem>>) dst(%dma_wait3A_30 : memref<10240xf32, #tpu.memory_space<vmem_shared>>)
        tpu.yield
      }) : () -> ()
    }
    %barrier3A_14 = arith.constant 0 : index
    tpu.barrier barrier_id(%barrier3A_14)
    %mul3A_15 = arith.constant 640 : i32
    %mul3A_16 = arith.muli %arg1, %mul3A_15 : i32
    "tpu.region"() ({
      %run_scoped3A = tpu.sem_alloc : memref<!tpu.dma_semaphore, #tpu.memory_space<semaphore_mem>>
      %dma_start3A = tpu.memref_slice %arg9[%mul3A_16] : memref<10240xf32, #tpu.memory_space<vmem_shared>> -> memref<640xf32, #tpu.memory_space<vmem_shared>>
      %dma_start3A_22 = tpu.memref_slice %arg9[%mul3A_16] : memref<10240xf32, #tpu.memory_space<vmem_shared>> -> memref<640xf32, #tpu.memory_space<vmem_shared>>
      tpu.enqueue_dma source(%dma_start3A_22 : memref<640xf32, #tpu.memory_space<vmem_shared>>) target(%arg8 : memref<640xf32, #tpu.memory_space<vmem>>) target_semaphore(%run_scoped3A : memref<!tpu.dma_semaphore, #tpu.memory_space<semaphore_mem>>)
      %dma_wait3A = tpu.memref_slice %arg9[%mul3A_16] : memref<10240xf32, #tpu.memory_space<vmem_shared>> -> memref<640xf32, #tpu.memory_space<vmem_shared>>
      %dma_wait3A_23 = tpu.memref_slice %arg9[%mul3A_16] : memref<10240xf32, #tpu.memory_space<vmem_shared>> -> memref<640xf32, #tpu.memory_space<vmem_shared>>
      tpu.wait_dma2 semaphore(%run_scoped3A : memref<!tpu.dma_semaphore, #tpu.memory_space<semaphore_mem>>) src(%dma_wait3A_23 : memref<640xf32, #tpu.memory_space<vmem_shared>>) dst(%arg8 : memref<640xf32, #tpu.memory_space<vmem>>)
      tpu.yield
    }) : () -> ()
    %mul3A_17 = arith.constant 10240 : i32
    %mul3A_18 = arith.muli %arg0, %mul3A_17 : i32
    %mul3A_19 = arith.constant 640 : i32
    %mul3A_20 = arith.muli %arg1, %mul3A_19 : i32
    %add3A_21 = arith.addi %mul3A_18, %mul3A_20 : i32
    "tpu.region"() ({
      %run_scoped3A = tpu.sem_alloc : memref<!tpu.dma_semaphore, #tpu.memory_space<semaphore_mem>>
      %dma_start3A = tpu.memref_slice %arg5[%add3A_21] : memref<20480xf32, #tpu.memory_space<hbm>> -> memref<640xf32, #tpu.memory_space<hbm>>
      %dma_start3A_22 = tpu.memref_slice %arg5[%add3A_21] : memref<20480xf32, #tpu.memory_space<hbm>> -> memref<640xf32, #tpu.memory_space<hbm>>
      tpu.enqueue_dma source(%arg8 : memref<640xf32, #tpu.memory_space<vmem>>) target(%dma_start3A_22 : memref<640xf32, #tpu.memory_space<hbm>>) target_semaphore(%run_scoped3A : memref<!tpu.dma_semaphore, #tpu.memory_space<semaphore_mem>>)
      %dma_wait3A = tpu.memref_slice %arg5[%add3A_21] : memref<20480xf32, #tpu.memory_space<hbm>> -> memref<640xf32, #tpu.memory_space<hbm>>
      %dma_wait3A_23 = tpu.memref_slice %arg5[%add3A_21] : memref<20480xf32, #tpu.memory_space<hbm>> -> memref<640xf32, #tpu.memory_space<hbm>>
      tpu.wait_dma2 semaphore(%run_scoped3A : memref<!tpu.dma_semaphore, #tpu.memory_space<semaphore_mem>>) src(%arg8 : memref<640xf32, #tpu.memory_space<vmem>>) dst(%dma_wait3A_23 : memref<640xf32, #tpu.memory_space<hbm>>)
      tpu.yield
    }) : () -> ()
    return
  }
}

#map = affine_map<(d0, d1) -> (0, 0)>
#map1 = affine_map<(d0, d1) -> (0, 0, 0)>
module attributes {stable_mosaic.version = 14 : i64} {
  func.func @agg_kernel(%arg0: i32, %arg1: i32, %arg2: memref<10240x128xf32, #tpu.memory_space<hbm>>, %arg3: memref<32x80x128xi32, #tpu.memory_space<hbm>>, %arg4: memref<32x80x128xi32, #tpu.memory_space<hbm>>, %arg5: memref<128x128xf32, #tpu.memory_space<hbm>>, %arg6: memref<20480x128xf32, #tpu.memory_space<hbm>>, %arg7: memref<2x128xi32, #tpu.memory_space<vmem>>, %arg8: memref<2x128xi32, #tpu.memory_space<vmem>>, %arg9: memref<2x128x128xf32, #tpu.memory_space<vmem>>, %arg10: memref<10240x128xf32, #tpu.memory_space<vmem_shared>>, %arg11: memref<!tpu.dma_semaphore, #tpu.memory_space<semaphore_mem>>, %arg12: memref<!tpu.dma_semaphore, #tpu.memory_space<semaphore_mem>>, %arg13: memref<!tpu.dma_semaphore, #tpu.memory_space<semaphore_mem>>, %arg14: memref<!tpu.dma_semaphore, #tpu.memory_space<semaphore_mem>>, %arg15: memref<!tpu.dma_semaphore, #tpu.memory_space<semaphore_mem>>, %arg16: memref<!tpu.dma_semaphore, #tpu.memory_space<semaphore_mem>>) attributes {dimension_semantics = [#tpu.dimension_semantics<core_parallel>, #tpu.dimension_semantics<subcore_parallel>], iteration_bounds = array<i64: 2, 16>, scalar_prefetch = 0 : i64, scratch_operands = 10 : i64, tpu.core_type = #tpu.core_type<sc_vector_subcore>, window_params = [{transform_indices = #map}, {transform_indices = #map1}, {transform_indices = #map1}, {transform_indices = #map}, {transform_indices = #map}]} {
    %mul3A = arith.constant 16 : i32
    %mul3A_0 = arith.muli %arg0, %mul3A : i32
    %add3A = arith.addi %mul3A_0, %arg1 : i32
    %eq3A = arith.constant 0 : i32
    %eq3A_1 = arith.cmpi eq, %arg0, %eq3A : i32
    %jit3A = arith.constant 80 : i32
    %jit3A_2 = arith.constant 78 : i32
    %select_n3A = arith.select %eq3A_1, %jit3A, %jit3A_2 : i32
    %run_scoped3A = arith.constant 0 : i32
    "tpu.region"() ({
      %run_scoped3A_201 = tpu.sem_alloc : memref<!tpu.dma_semaphore, #tpu.memory_space<semaphore_mem>>
      %dma_start3A_202 = arith.constant 0 : i32
      %dma_start3A_203 = arith.constant 0 : i32
      %dma_start3A_204 = tpu.memref_slice %arg9[%run_scoped3A, %dma_start3A_202, %dma_start3A_203] : memref<2x128x128xf32, #tpu.memory_space<vmem>> -> memref<1x128x128xf32, #tpu.memory_space<vmem>>
      %dma_start3A_205 = tpu.memref_squeeze %dma_start3A_204 : memref<1x128x128xf32, #tpu.memory_space<vmem>> -> memref<128x128xf32, #tpu.memory_space<vmem>>
      %dma_start3A_206 = arith.constant 0 : i32
      %dma_start3A_207 = arith.constant 0 : i32
      %dma_start3A_208 = tpu.memref_slice %arg9[%run_scoped3A, %dma_start3A_206, %dma_start3A_207] : memref<2x128x128xf32, #tpu.memory_space<vmem>> -> memref<1x128x128xf32, #tpu.memory_space<vmem>>
      %dma_start3A_209 = tpu.memref_squeeze %dma_start3A_208 : memref<1x128x128xf32, #tpu.memory_space<vmem>> -> memref<128x128xf32, #tpu.memory_space<vmem>>
      tpu.enqueue_dma source(%arg5 : memref<128x128xf32, #tpu.memory_space<hbm>>) target(%dma_start3A_209 : memref<128x128xf32, #tpu.memory_space<vmem>>) target_semaphore(%run_scoped3A_201 : memref<!tpu.dma_semaphore, #tpu.memory_space<semaphore_mem>>)
      %dma_wait3A_210 = arith.constant 0 : i32
      %dma_wait3A_211 = arith.constant 0 : i32
      %dma_wait3A_212 = tpu.memref_slice %arg9[%run_scoped3A, %dma_wait3A_210, %dma_wait3A_211] : memref<2x128x128xf32, #tpu.memory_space<vmem>> -> memref<1x128x128xf32, #tpu.memory_space<vmem>>
      %dma_wait3A_213 = tpu.memref_squeeze %dma_wait3A_212 : memref<1x128x128xf32, #tpu.memory_space<vmem>> -> memref<128x128xf32, #tpu.memory_space<vmem>>
      %dma_wait3A_214 = arith.constant 0 : i32
      %dma_wait3A_215 = arith.constant 0 : i32
      %dma_wait3A_216 = tpu.memref_slice %arg9[%run_scoped3A, %dma_wait3A_214, %dma_wait3A_215] : memref<2x128x128xf32, #tpu.memory_space<vmem>> -> memref<1x128x128xf32, #tpu.memory_space<vmem>>
      %dma_wait3A_217 = tpu.memref_squeeze %dma_wait3A_216 : memref<1x128x128xf32, #tpu.memory_space<vmem>> -> memref<128x128xf32, #tpu.memory_space<vmem>>
      tpu.wait_dma2 semaphore(%run_scoped3A_201 : memref<!tpu.dma_semaphore, #tpu.memory_space<semaphore_mem>>) src(%arg5 : memref<128x128xf32, #tpu.memory_space<hbm>>) dst(%dma_wait3A_217 : memref<128x128xf32, #tpu.memory_space<vmem>>)
      tpu.yield
    }) : () -> ()
    %mul3A_3 = arith.constant 640 : i32
    %mul3A_4 = arith.muli %arg1, %mul3A_3 : i32
    %add3A_5 = arith.constant 0 : i32
    %add3A_6 = arith.addi %mul3A_4, %add3A_5 : i32
    %run_scoped3A_7 = arith.constant 0 : i32
    "tpu.region"() ({
      %run_scoped3A_201 = tpu.sem_alloc : memref<!tpu.dma_semaphore, #tpu.memory_space<semaphore_mem>>
      %dma_start3A_202 = arith.constant 0 : i32
      %dma_start3A_203 = arith.constant 0 : i32
      %dma_start3A_204 = tpu.memref_slice %arg9[%run_scoped3A_7, %dma_start3A_202, %dma_start3A_203] : memref<2x128x128xf32, #tpu.memory_space<vmem>> -> memref<1x128x128xf32, #tpu.memory_space<vmem>>
      %dma_start3A_205 = tpu.memref_squeeze %dma_start3A_204 : memref<1x128x128xf32, #tpu.memory_space<vmem>> -> memref<128x128xf32, #tpu.memory_space<vmem>>
      %dma_start3A_206 = arith.constant 0 : i32
      %dma_start3A_207 = tpu.memref_slice %arg10[%add3A_6, %dma_start3A_206] : memref<10240x128xf32, #tpu.memory_space<vmem_shared>> -> memref<128x128xf32, #tpu.memory_space<vmem_shared>>
      %dma_start3A_208 = arith.constant 0 : i32
      %dma_start3A_209 = tpu.memref_slice %arg10[%add3A_6, %dma_start3A_208] : memref<10240x128xf32, #tpu.memory_space<vmem_shared>> -> memref<128x128xf32, #tpu.memory_space<vmem_shared>>
      %dma_start3A_210 = arith.constant 0 : i32
      %dma_start3A_211 = arith.constant 0 : i32
      %dma_start3A_212 = tpu.memref_slice %arg9[%run_scoped3A_7, %dma_start3A_210, %dma_start3A_211] : memref<2x128x128xf32, #tpu.memory_space<vmem>> -> memref<1x128x128xf32, #tpu.memory_space<vmem>>
      %dma_start3A_213 = tpu.memref_squeeze %dma_start3A_212 : memref<1x128x128xf32, #tpu.memory_space<vmem>> -> memref<128x128xf32, #tpu.memory_space<vmem>>
      tpu.enqueue_dma source(%dma_start3A_213 : memref<128x128xf32, #tpu.memory_space<vmem>>) target(%dma_start3A_209 : memref<128x128xf32, #tpu.memory_space<vmem_shared>>) target_semaphore(%run_scoped3A_201 : memref<!tpu.dma_semaphore, #tpu.memory_space<semaphore_mem>>)
      %dma_wait3A_214 = arith.constant 0 : i32
      %dma_wait3A_215 = arith.constant 0 : i32
      %dma_wait3A_216 = tpu.memref_slice %arg9[%run_scoped3A_7, %dma_wait3A_214, %dma_wait3A_215] : memref<2x128x128xf32, #tpu.memory_space<vmem>> -> memref<1x128x128xf32, #tpu.memory_space<vmem>>
      %dma_wait3A_217 = tpu.memref_squeeze %dma_wait3A_216 : memref<1x128x128xf32, #tpu.memory_space<vmem>> -> memref<128x128xf32, #tpu.memory_space<vmem>>
      %dma_wait3A_218 = arith.constant 0 : i32
      %dma_wait3A_219 = tpu.memref_slice %arg10[%add3A_6, %dma_wait3A_218] : memref<10240x128xf32, #tpu.memory_space<vmem_shared>> -> memref<128x128xf32, #tpu.memory_space<vmem_shared>>
      %dma_wait3A_220 = arith.constant 0 : i32
      %dma_wait3A_221 = tpu.memref_slice %arg10[%add3A_6, %dma_wait3A_220] : memref<10240x128xf32, #tpu.memory_space<vmem_shared>> -> memref<128x128xf32, #tpu.memory_space<vmem_shared>>
      %dma_wait3A_222 = arith.constant 0 : i32
      %dma_wait3A_223 = arith.constant 0 : i32
      %dma_wait3A_224 = tpu.memref_slice %arg9[%run_scoped3A_7, %dma_wait3A_222, %dma_wait3A_223] : memref<2x128x128xf32, #tpu.memory_space<vmem>> -> memref<1x128x128xf32, #tpu.memory_space<vmem>>
      %dma_wait3A_225 = tpu.memref_squeeze %dma_wait3A_224 : memref<1x128x128xf32, #tpu.memory_space<vmem>> -> memref<128x128xf32, #tpu.memory_space<vmem>>
      tpu.wait_dma2 semaphore(%run_scoped3A_201 : memref<!tpu.dma_semaphore, #tpu.memory_space<semaphore_mem>>) src(%dma_wait3A_225 : memref<128x128xf32, #tpu.memory_space<vmem>>) dst(%dma_wait3A_221 : memref<128x128xf32, #tpu.memory_space<vmem_shared>>)
      tpu.yield
    }) : () -> ()
    %mul3A_8 = arith.constant 640 : i32
    %mul3A_9 = arith.muli %arg1, %mul3A_8 : i32
    %add3A_10 = arith.constant 128 : i32
    %add3A_11 = arith.addi %mul3A_9, %add3A_10 : i32
    %run_scoped3A_12 = arith.constant 0 : i32
    "tpu.region"() ({
      %run_scoped3A_201 = tpu.sem_alloc : memref<!tpu.dma_semaphore, #tpu.memory_space<semaphore_mem>>
      %dma_start3A_202 = arith.constant 0 : i32
      %dma_start3A_203 = arith.constant 0 : i32
      %dma_start3A_204 = tpu.memref_slice %arg9[%run_scoped3A_12, %dma_start3A_202, %dma_start3A_203] : memref<2x128x128xf32, #tpu.memory_space<vmem>> -> memref<1x128x128xf32, #tpu.memory_space<vmem>>
      %dma_start3A_205 = tpu.memref_squeeze %dma_start3A_204 : memref<1x128x128xf32, #tpu.memory_space<vmem>> -> memref<128x128xf32, #tpu.memory_space<vmem>>
      %dma_start3A_206 = arith.constant 0 : i32
      %dma_start3A_207 = tpu.memref_slice %arg10[%add3A_11, %dma_start3A_206] : memref<10240x128xf32, #tpu.memory_space<vmem_shared>> -> memref<128x128xf32, #tpu.memory_space<vmem_shared>>
      %dma_start3A_208 = arith.constant 0 : i32
      %dma_start3A_209 = tpu.memref_slice %arg10[%add3A_11, %dma_start3A_208] : memref<10240x128xf32, #tpu.memory_space<vmem_shared>> -> memref<128x128xf32, #tpu.memory_space<vmem_shared>>
      %dma_start3A_210 = arith.constant 0 : i32
      %dma_start3A_211 = arith.constant 0 : i32
      %dma_start3A_212 = tpu.memref_slice %arg9[%run_scoped3A_12, %dma_start3A_210, %dma_start3A_211] : memref<2x128x128xf32, #tpu.memory_space<vmem>> -> memref<1x128x128xf32, #tpu.memory_space<vmem>>
      %dma_start3A_213 = tpu.memref_squeeze %dma_start3A_212 : memref<1x128x128xf32, #tpu.memory_space<vmem>> -> memref<128x128xf32, #tpu.memory_space<vmem>>
      tpu.enqueue_dma source(%dma_start3A_213 : memref<128x128xf32, #tpu.memory_space<vmem>>) target(%dma_start3A_209 : memref<128x128xf32, #tpu.memory_space<vmem_shared>>) target_semaphore(%run_scoped3A_201 : memref<!tpu.dma_semaphore, #tpu.memory_space<semaphore_mem>>)
      %dma_wait3A_214 = arith.constant 0 : i32
      %dma_wait3A_215 = arith.constant 0 : i32
      %dma_wait3A_216 = tpu.memref_slice %arg9[%run_scoped3A_12, %dma_wait3A_214, %dma_wait3A_215] : memref<2x128x128xf32, #tpu.memory_space<vmem>> -> memref<1x128x128xf32, #tpu.memory_space<vmem>>
      %dma_wait3A_217 = tpu.memref_squeeze %dma_wait3A_216 : memref<1x128x128xf32, #tpu.memory_space<vmem>> -> memref<128x128xf32, #tpu.memory_space<vmem>>
      %dma_wait3A_218 = arith.constant 0 : i32
      %dma_wait3A_219 = tpu.memref_slice %arg10[%add3A_11, %dma_wait3A_218] : memref<10240x128xf32, #tpu.memory_space<vmem_shared>> -> memref<128x128xf32, #tpu.memory_space<vmem_shared>>
      %dma_wait3A_220 = arith.constant 0 : i32
      %dma_wait3A_221 = tpu.memref_slice %arg10[%add3A_11, %dma_wait3A_220] : memref<10240x128xf32, #tpu.memory_space<vmem_shared>> -> memref<128x128xf32, #tpu.memory_space<vmem_shared>>
      %dma_wait3A_222 = arith.constant 0 : i32
      %dma_wait3A_223 = arith.constant 0 : i32
      %dma_wait3A_224 = tpu.memref_slice %arg9[%run_scoped3A_12, %dma_wait3A_222, %dma_wait3A_223] : memref<2x128x128xf32, #tpu.memory_space<vmem>> -> memref<1x128x128xf32, #tpu.memory_space<vmem>>
      %dma_wait3A_225 = tpu.memref_squeeze %dma_wait3A_224 : memref<1x128x128xf32, #tpu.memory_space<vmem>> -> memref<128x128xf32, #tpu.memory_space<vmem>>
      tpu.wait_dma2 semaphore(%run_scoped3A_201 : memref<!tpu.dma_semaphore, #tpu.memory_space<semaphore_mem>>) src(%dma_wait3A_225 : memref<128x128xf32, #tpu.memory_space<vmem>>) dst(%dma_wait3A_221 : memref<128x128xf32, #tpu.memory_space<vmem_shared>>)
      tpu.yield
    }) : () -> ()
    %mul3A_13 = arith.constant 640 : i32
    %mul3A_14 = arith.muli %arg1, %mul3A_13 : i32
    %add3A_15 = arith.constant 256 : i32
    %add3A_16 = arith.addi %mul3A_14, %add3A_15 : i32
    %run_scoped3A_17 = arith.constant 0 : i32
    "tpu.region"() ({
      %run_scoped3A_201 = tpu.sem_alloc : memref<!tpu.dma_semaphore, #tpu.memory_space<semaphore_mem>>
      %dma_start3A_202 = arith.constant 0 : i32
      %dma_start3A_203 = arith.constant 0 : i32
      %dma_start3A_204 = tpu.memref_slice %arg9[%run_scoped3A_17, %dma_start3A_202, %dma_start3A_203] : memref<2x128x128xf32, #tpu.memory_space<vmem>> -> memref<1x128x128xf32, #tpu.memory_space<vmem>>
      %dma_start3A_205 = tpu.memref_squeeze %dma_start3A_204 : memref<1x128x128xf32, #tpu.memory_space<vmem>> -> memref<128x128xf32, #tpu.memory_space<vmem>>
      %dma_start3A_206 = arith.constant 0 : i32
      %dma_start3A_207 = tpu.memref_slice %arg10[%add3A_16, %dma_start3A_206] : memref<10240x128xf32, #tpu.memory_space<vmem_shared>> -> memref<128x128xf32, #tpu.memory_space<vmem_shared>>
      %dma_start3A_208 = arith.constant 0 : i32
      %dma_start3A_209 = tpu.memref_slice %arg10[%add3A_16, %dma_start3A_208] : memref<10240x128xf32, #tpu.memory_space<vmem_shared>> -> memref<128x128xf32, #tpu.memory_space<vmem_shared>>
      %dma_start3A_210 = arith.constant 0 : i32
      %dma_start3A_211 = arith.constant 0 : i32
      %dma_start3A_212 = tpu.memref_slice %arg9[%run_scoped3A_17, %dma_start3A_210, %dma_start3A_211] : memref<2x128x128xf32, #tpu.memory_space<vmem>> -> memref<1x128x128xf32, #tpu.memory_space<vmem>>
      %dma_start3A_213 = tpu.memref_squeeze %dma_start3A_212 : memref<1x128x128xf32, #tpu.memory_space<vmem>> -> memref<128x128xf32, #tpu.memory_space<vmem>>
      tpu.enqueue_dma source(%dma_start3A_213 : memref<128x128xf32, #tpu.memory_space<vmem>>) target(%dma_start3A_209 : memref<128x128xf32, #tpu.memory_space<vmem_shared>>) target_semaphore(%run_scoped3A_201 : memref<!tpu.dma_semaphore, #tpu.memory_space<semaphore_mem>>)
      %dma_wait3A_214 = arith.constant 0 : i32
      %dma_wait3A_215 = arith.constant 0 : i32
      %dma_wait3A_216 = tpu.memref_slice %arg9[%run_scoped3A_17, %dma_wait3A_214, %dma_wait3A_215] : memref<2x128x128xf32, #tpu.memory_space<vmem>> -> memref<1x128x128xf32, #tpu.memory_space<vmem>>
      %dma_wait3A_217 = tpu.memref_squeeze %dma_wait3A_216 : memref<1x128x128xf32, #tpu.memory_space<vmem>> -> memref<128x128xf32, #tpu.memory_space<vmem>>
      %dma_wait3A_218 = arith.constant 0 : i32
      %dma_wait3A_219 = tpu.memref_slice %arg10[%add3A_16, %dma_wait3A_218] : memref<10240x128xf32, #tpu.memory_space<vmem_shared>> -> memref<128x128xf32, #tpu.memory_space<vmem_shared>>
      %dma_wait3A_220 = arith.constant 0 : i32
      %dma_wait3A_221 = tpu.memref_slice %arg10[%add3A_16, %dma_wait3A_220] : memref<10240x128xf32, #tpu.memory_space<vmem_shared>> -> memref<128x128xf32, #tpu.memory_space<vmem_shared>>
      %dma_wait3A_222 = arith.constant 0 : i32
      %dma_wait3A_223 = arith.constant 0 : i32
      %dma_wait3A_224 = tpu.memref_slice %arg9[%run_scoped3A_17, %dma_wait3A_222, %dma_wait3A_223] : memref<2x128x128xf32, #tpu.memory_space<vmem>> -> memref<1x128x128xf32, #tpu.memory_space<vmem>>
      %dma_wait3A_225 = tpu.memref_squeeze %dma_wait3A_224 : memref<1x128x128xf32, #tpu.memory_space<vmem>> -> memref<128x128xf32, #tpu.memory_space<vmem>>
      tpu.wait_dma2 semaphore(%run_scoped3A_201 : memref<!tpu.dma_semaphore, #tpu.memory_space<semaphore_mem>>) src(%dma_wait3A_225 : memref<128x128xf32, #tpu.memory_space<vmem>>) dst(%dma_wait3A_221 : memref<128x128xf32, #tpu.memory_space<vmem_shared>>)
      tpu.yield
    }) : () -> ()
    %mul3A_18 = arith.constant 640 : i32
    %mul3A_19 = arith.muli %arg1, %mul3A_18 : i32
    %add3A_20 = arith.constant 384 : i32
    %add3A_21 = arith.addi %mul3A_19, %add3A_20 : i32
    %run_scoped3A_22 = arith.constant 0 : i32
    "tpu.region"() ({
      %run_scoped3A_201 = tpu.sem_alloc : memref<!tpu.dma_semaphore, #tpu.memory_space<semaphore_mem>>
      %dma_start3A_202 = arith.constant 0 : i32
      %dma_start3A_203 = arith.constant 0 : i32
      %dma_start3A_204 = tpu.memref_slice %arg9[%run_scoped3A_22, %dma_start3A_202, %dma_start3A_203] : memref<2x128x128xf32, #tpu.memory_space<vmem>> -> memref<1x128x128xf32, #tpu.memory_space<vmem>>
      %dma_start3A_205 = tpu.memref_squeeze %dma_start3A_204 : memref<1x128x128xf32, #tpu.memory_space<vmem>> -> memref<128x128xf32, #tpu.memory_space<vmem>>
      %dma_start3A_206 = arith.constant 0 : i32
      %dma_start3A_207 = tpu.memref_slice %arg10[%add3A_21, %dma_start3A_206] : memref<10240x128xf32, #tpu.memory_space<vmem_shared>> -> memref<128x128xf32, #tpu.memory_space<vmem_shared>>
      %dma_start3A_208 = arith.constant 0 : i32
      %dma_start3A_209 = tpu.memref_slice %arg10[%add3A_21, %dma_start3A_208] : memref<10240x128xf32, #tpu.memory_space<vmem_shared>> -> memref<128x128xf32, #tpu.memory_space<vmem_shared>>
      %dma_start3A_210 = arith.constant 0 : i32
      %dma_start3A_211 = arith.constant 0 : i32
      %dma_start3A_212 = tpu.memref_slice %arg9[%run_scoped3A_22, %dma_start3A_210, %dma_start3A_211] : memref<2x128x128xf32, #tpu.memory_space<vmem>> -> memref<1x128x128xf32, #tpu.memory_space<vmem>>
      %dma_start3A_213 = tpu.memref_squeeze %dma_start3A_212 : memref<1x128x128xf32, #tpu.memory_space<vmem>> -> memref<128x128xf32, #tpu.memory_space<vmem>>
      tpu.enqueue_dma source(%dma_start3A_213 : memref<128x128xf32, #tpu.memory_space<vmem>>) target(%dma_start3A_209 : memref<128x128xf32, #tpu.memory_space<vmem_shared>>) target_semaphore(%run_scoped3A_201 : memref<!tpu.dma_semaphore, #tpu.memory_space<semaphore_mem>>)
      %dma_wait3A_214 = arith.constant 0 : i32
      %dma_wait3A_215 = arith.constant 0 : i32
      %dma_wait3A_216 = tpu.memref_slice %arg9[%run_scoped3A_22, %dma_wait3A_214, %dma_wait3A_215] : memref<2x128x128xf32, #tpu.memory_space<vmem>> -> memref<1x128x128xf32, #tpu.memory_space<vmem>>
      %dma_wait3A_217 = tpu.memref_squeeze %dma_wait3A_216 : memref<1x128x128xf32, #tpu.memory_space<vmem>> -> memref<128x128xf32, #tpu.memory_space<vmem>>
      %dma_wait3A_218 = arith.constant 0 : i32
      %dma_wait3A_219 = tpu.memref_slice %arg10[%add3A_21, %dma_wait3A_218] : memref<10240x128xf32, #tpu.memory_space<vmem_shared>> -> memref<128x128xf32, #tpu.memory_space<vmem_shared>>
      %dma_wait3A_220 = arith.constant 0 : i32
      %dma_wait3A_221 = tpu.memref_slice %arg10[%add3A_21, %dma_wait3A_220] : memref<10240x128xf32, #tpu.memory_space<vmem_shared>> -> memref<128x128xf32, #tpu.memory_space<vmem_shared>>
      %dma_wait3A_222 = arith.constant 0 : i32
      %dma_wait3A_223 = arith.constant 0 : i32
      %dma_wait3A_224 = tpu.memref_slice %arg9[%run_scoped3A_22, %dma_wait3A_222, %dma_wait3A_223] : memref<2x128x128xf32, #tpu.memory_space<vmem>> -> memref<1x128x128xf32, #tpu.memory_space<vmem>>
      %dma_wait3A_225 = tpu.memref_squeeze %dma_wait3A_224 : memref<1x128x128xf32, #tpu.memory_space<vmem>> -> memref<128x128xf32, #tpu.memory_space<vmem>>
      tpu.wait_dma2 semaphore(%run_scoped3A_201 : memref<!tpu.dma_semaphore, #tpu.memory_space<semaphore_mem>>) src(%dma_wait3A_225 : memref<128x128xf32, #tpu.memory_space<vmem>>) dst(%dma_wait3A_221 : memref<128x128xf32, #tpu.memory_space<vmem_shared>>)
      tpu.yield
    }) : () -> ()
    %mul3A_23 = arith.constant 640 : i32
    %mul3A_24 = arith.muli %arg1, %mul3A_23 : i32
    %add3A_25 = arith.constant 512 : i32
    %add3A_26 = arith.addi %mul3A_24, %add3A_25 : i32
    %run_scoped3A_27 = arith.constant 0 : i32
    "tpu.region"() ({
      %run_scoped3A_201 = tpu.sem_alloc : memref<!tpu.dma_semaphore, #tpu.memory_space<semaphore_mem>>
      %dma_start3A_202 = arith.constant 0 : i32
      %dma_start3A_203 = arith.constant 0 : i32
      %dma_start3A_204 = tpu.memref_slice %arg9[%run_scoped3A_27, %dma_start3A_202, %dma_start3A_203] : memref<2x128x128xf32, #tpu.memory_space<vmem>> -> memref<1x128x128xf32, #tpu.memory_space<vmem>>
      %dma_start3A_205 = tpu.memref_squeeze %dma_start3A_204 : memref<1x128x128xf32, #tpu.memory_space<vmem>> -> memref<128x128xf32, #tpu.memory_space<vmem>>
      %dma_start3A_206 = arith.constant 0 : i32
      %dma_start3A_207 = tpu.memref_slice %arg10[%add3A_26, %dma_start3A_206] : memref<10240x128xf32, #tpu.memory_space<vmem_shared>> -> memref<128x128xf32, #tpu.memory_space<vmem_shared>>
      %dma_start3A_208 = arith.constant 0 : i32
      %dma_start3A_209 = tpu.memref_slice %arg10[%add3A_26, %dma_start3A_208] : memref<10240x128xf32, #tpu.memory_space<vmem_shared>> -> memref<128x128xf32, #tpu.memory_space<vmem_shared>>
      %dma_start3A_210 = arith.constant 0 : i32
      %dma_start3A_211 = arith.constant 0 : i32
      %dma_start3A_212 = tpu.memref_slice %arg9[%run_scoped3A_27, %dma_start3A_210, %dma_start3A_211] : memref<2x128x128xf32, #tpu.memory_space<vmem>> -> memref<1x128x128xf32, #tpu.memory_space<vmem>>
      %dma_start3A_213 = tpu.memref_squeeze %dma_start3A_212 : memref<1x128x128xf32, #tpu.memory_space<vmem>> -> memref<128x128xf32, #tpu.memory_space<vmem>>
      tpu.enqueue_dma source(%dma_start3A_213 : memref<128x128xf32, #tpu.memory_space<vmem>>) target(%dma_start3A_209 : memref<128x128xf32, #tpu.memory_space<vmem_shared>>) target_semaphore(%run_scoped3A_201 : memref<!tpu.dma_semaphore, #tpu.memory_space<semaphore_mem>>)
      %dma_wait3A_214 = arith.constant 0 : i32
      %dma_wait3A_215 = arith.constant 0 : i32
      %dma_wait3A_216 = tpu.memref_slice %arg9[%run_scoped3A_27, %dma_wait3A_214, %dma_wait3A_215] : memref<2x128x128xf32, #tpu.memory_space<vmem>> -> memref<1x128x128xf32, #tpu.memory_space<vmem>>
      %dma_wait3A_217 = tpu.memref_squeeze %dma_wait3A_216 : memref<1x128x128xf32, #tpu.memory_space<vmem>> -> memref<128x128xf32, #tpu.memory_space<vmem>>
      %dma_wait3A_218 = arith.constant 0 : i32
      %dma_wait3A_219 = tpu.memref_slice %arg10[%add3A_26, %dma_wait3A_218] : memref<10240x128xf32, #tpu.memory_space<vmem_shared>> -> memref<128x128xf32, #tpu.memory_space<vmem_shared>>
      %dma_wait3A_220 = arith.constant 0 : i32
      %dma_wait3A_221 = tpu.memref_slice %arg10[%add3A_26, %dma_wait3A_220] : memref<10240x128xf32, #tpu.memory_space<vmem_shared>> -> memref<128x128xf32, #tpu.memory_space<vmem_shared>>
      %dma_wait3A_222 = arith.constant 0 : i32
      %dma_wait3A_223 = arith.constant 0 : i32
      %dma_wait3A_224 = tpu.memref_slice %arg9[%run_scoped3A_27, %dma_wait3A_222, %dma_wait3A_223] : memref<2x128x128xf32, #tpu.memory_space<vmem>> -> memref<1x128x128xf32, #tpu.memory_space<vmem>>
      %dma_wait3A_225 = tpu.memref_squeeze %dma_wait3A_224 : memref<1x128x128xf32, #tpu.memory_space<vmem>> -> memref<128x128xf32, #tpu.memory_space<vmem>>
      tpu.wait_dma2 semaphore(%run_scoped3A_201 : memref<!tpu.dma_semaphore, #tpu.memory_space<semaphore_mem>>) src(%dma_wait3A_225 : memref<128x128xf32, #tpu.memory_space<vmem>>) dst(%dma_wait3A_221 : memref<128x128xf32, #tpu.memory_space<vmem_shared>>)
      tpu.yield
    }) : () -> ()
    %barrier3A = arith.constant 0 : index
    tpu.barrier barrier_id(%barrier3A)
    %dma_start3A = arith.constant 0 : i32
    %dma_start3A_28 = arith.constant 0 : i32
    %dma_start3A_29 = arith.constant 0 : i32
    %dma_start3A_30 = tpu.memref_slice %arg7[%dma_start3A_28, %dma_start3A_29] : memref<2x128xi32, #tpu.memory_space<vmem>> -> memref<1x128xi32, #tpu.memory_space<vmem>>
    %dma_start3A_31 = tpu.memref_squeeze %dma_start3A_30 : memref<1x128xi32, #tpu.memory_space<vmem>> -> memref<128xi32, #tpu.memory_space<vmem>>
    %dma_start3A_32 = arith.constant 0 : i32
    %dma_start3A_33 = tpu.memref_slice %arg3[%add3A, %dma_start3A, %dma_start3A_32] : memref<32x80x128xi32, #tpu.memory_space<hbm>> -> memref<1x1x128xi32, #tpu.memory_space<hbm>>
    %dma_start3A_34 = tpu.memref_squeeze %dma_start3A_33 : memref<1x1x128xi32, #tpu.memory_space<hbm>> -> memref<128xi32, #tpu.memory_space<hbm>>
    %dma_start3A_35 = arith.constant 0 : i32
    %dma_start3A_36 = tpu.memref_slice %arg7[%dma_start3A_28, %dma_start3A_35] : memref<2x128xi32, #tpu.memory_space<vmem>> -> memref<1x128xi32, #tpu.memory_space<vmem>>
    %dma_start3A_37 = tpu.memref_squeeze %dma_start3A_36 : memref<1x128xi32, #tpu.memory_space<vmem>> -> memref<128xi32, #tpu.memory_space<vmem>>
    %dma_start3A_38 = arith.constant 0 : i32
    %dma_start3A_39 = tpu.memref_slice %arg3[%add3A, %dma_start3A, %dma_start3A_38] : memref<32x80x128xi32, #tpu.memory_space<hbm>> -> memref<1x1x128xi32, #tpu.memory_space<hbm>>
    %dma_start3A_40 = tpu.memref_squeeze %dma_start3A_39 : memref<1x1x128xi32, #tpu.memory_space<hbm>> -> memref<128xi32, #tpu.memory_space<hbm>>
    tpu.enqueue_dma source(%dma_start3A_40 : memref<128xi32, #tpu.memory_space<hbm>>) target(%dma_start3A_37 : memref<128xi32, #tpu.memory_space<vmem>>) target_semaphore(%arg11 : memref<!tpu.dma_semaphore, #tpu.memory_space<semaphore_mem>>)
    %dma_start3A_41 = arith.constant 0 : i32
    %dma_start3A_42 = arith.constant 0 : i32
    %dma_start3A_43 = arith.constant 0 : i32
    %dma_start3A_44 = tpu.memref_slice %arg8[%dma_start3A_42, %dma_start3A_43] : memref<2x128xi32, #tpu.memory_space<vmem>> -> memref<1x128xi32, #tpu.memory_space<vmem>>
    %dma_start3A_45 = tpu.memref_squeeze %dma_start3A_44 : memref<1x128xi32, #tpu.memory_space<vmem>> -> memref<128xi32, #tpu.memory_space<vmem>>
    %dma_start3A_46 = arith.constant 0 : i32
    %dma_start3A_47 = tpu.memref_slice %arg4[%add3A, %dma_start3A_41, %dma_start3A_46] : memref<32x80x128xi32, #tpu.memory_space<hbm>> -> memref<1x1x128xi32, #tpu.memory_space<hbm>>
    %dma_start3A_48 = tpu.memref_squeeze %dma_start3A_47 : memref<1x1x128xi32, #tpu.memory_space<hbm>> -> memref<128xi32, #tpu.memory_space<hbm>>
    %dma_start3A_49 = arith.constant 0 : i32
    %dma_start3A_50 = tpu.memref_slice %arg8[%dma_start3A_42, %dma_start3A_49] : memref<2x128xi32, #tpu.memory_space<vmem>> -> memref<1x128xi32, #tpu.memory_space<vmem>>
    %dma_start3A_51 = tpu.memref_squeeze %dma_start3A_50 : memref<1x128xi32, #tpu.memory_space<vmem>> -> memref<128xi32, #tpu.memory_space<vmem>>
    %dma_start3A_52 = arith.constant 0 : i32
    %dma_start3A_53 = tpu.memref_slice %arg4[%add3A, %dma_start3A_41, %dma_start3A_52] : memref<32x80x128xi32, #tpu.memory_space<hbm>> -> memref<1x1x128xi32, #tpu.memory_space<hbm>>
    %dma_start3A_54 = tpu.memref_squeeze %dma_start3A_53 : memref<1x1x128xi32, #tpu.memory_space<hbm>> -> memref<128xi32, #tpu.memory_space<hbm>>
    tpu.enqueue_dma source(%dma_start3A_54 : memref<128xi32, #tpu.memory_space<hbm>>) target(%dma_start3A_51 : memref<128xi32, #tpu.memory_space<vmem>>) target_semaphore(%arg13 : memref<!tpu.dma_semaphore, #tpu.memory_space<semaphore_mem>>)
    %dma_start3A_55 = arith.constant 1 : i32
    %dma_start3A_56 = arith.constant 1 : i32
    %dma_start3A_57 = arith.constant 0 : i32
    %dma_start3A_58 = tpu.memref_slice %arg7[%dma_start3A_56, %dma_start3A_57] : memref<2x128xi32, #tpu.memory_space<vmem>> -> memref<1x128xi32, #tpu.memory_space<vmem>>
    %dma_start3A_59 = tpu.memref_squeeze %dma_start3A_58 : memref<1x128xi32, #tpu.memory_space<vmem>> -> memref<128xi32, #tpu.memory_space<vmem>>
    %dma_start3A_60 = arith.constant 0 : i32
    %dma_start3A_61 = tpu.memref_slice %arg3[%add3A, %dma_start3A_55, %dma_start3A_60] : memref<32x80x128xi32, #tpu.memory_space<hbm>> -> memref<1x1x128xi32, #tpu.memory_space<hbm>>
    %dma_start3A_62 = tpu.memref_squeeze %dma_start3A_61 : memref<1x1x128xi32, #tpu.memory_space<hbm>> -> memref<128xi32, #tpu.memory_space<hbm>>
    %dma_start3A_63 = arith.constant 0 : i32
    %dma_start3A_64 = tpu.memref_slice %arg7[%dma_start3A_56, %dma_start3A_63] : memref<2x128xi32, #tpu.memory_space<vmem>> -> memref<1x128xi32, #tpu.memory_space<vmem>>
    %dma_start3A_65 = tpu.memref_squeeze %dma_start3A_64 : memref<1x128xi32, #tpu.memory_space<vmem>> -> memref<128xi32, #tpu.memory_space<vmem>>
    %dma_start3A_66 = arith.constant 0 : i32
    %dma_start3A_67 = tpu.memref_slice %arg3[%add3A, %dma_start3A_55, %dma_start3A_66] : memref<32x80x128xi32, #tpu.memory_space<hbm>> -> memref<1x1x128xi32, #tpu.memory_space<hbm>>
    %dma_start3A_68 = tpu.memref_squeeze %dma_start3A_67 : memref<1x1x128xi32, #tpu.memory_space<hbm>> -> memref<128xi32, #tpu.memory_space<hbm>>
    tpu.enqueue_dma source(%dma_start3A_68 : memref<128xi32, #tpu.memory_space<hbm>>) target(%dma_start3A_65 : memref<128xi32, #tpu.memory_space<vmem>>) target_semaphore(%arg12 : memref<!tpu.dma_semaphore, #tpu.memory_space<semaphore_mem>>)
    %dma_start3A_69 = arith.constant 1 : i32
    %dma_start3A_70 = arith.constant 1 : i32
    %dma_start3A_71 = arith.constant 0 : i32
    %dma_start3A_72 = tpu.memref_slice %arg8[%dma_start3A_70, %dma_start3A_71] : memref<2x128xi32, #tpu.memory_space<vmem>> -> memref<1x128xi32, #tpu.memory_space<vmem>>
    %dma_start3A_73 = tpu.memref_squeeze %dma_start3A_72 : memref<1x128xi32, #tpu.memory_space<vmem>> -> memref<128xi32, #tpu.memory_space<vmem>>
    %dma_start3A_74 = arith.constant 0 : i32
    %dma_start3A_75 = tpu.memref_slice %arg4[%add3A, %dma_start3A_69, %dma_start3A_74] : memref<32x80x128xi32, #tpu.memory_space<hbm>> -> memref<1x1x128xi32, #tpu.memory_space<hbm>>
    %dma_start3A_76 = tpu.memref_squeeze %dma_start3A_75 : memref<1x1x128xi32, #tpu.memory_space<hbm>> -> memref<128xi32, #tpu.memory_space<hbm>>
    %dma_start3A_77 = arith.constant 0 : i32
    %dma_start3A_78 = tpu.memref_slice %arg8[%dma_start3A_70, %dma_start3A_77] : memref<2x128xi32, #tpu.memory_space<vmem>> -> memref<1x128xi32, #tpu.memory_space<vmem>>
    %dma_start3A_79 = tpu.memref_squeeze %dma_start3A_78 : memref<1x128xi32, #tpu.memory_space<vmem>> -> memref<128xi32, #tpu.memory_space<vmem>>
    %dma_start3A_80 = arith.constant 0 : i32
    %dma_start3A_81 = tpu.memref_slice %arg4[%add3A, %dma_start3A_69, %dma_start3A_80] : memref<32x80x128xi32, #tpu.memory_space<hbm>> -> memref<1x1x128xi32, #tpu.memory_space<hbm>>
    %dma_start3A_82 = tpu.memref_squeeze %dma_start3A_81 : memref<1x1x128xi32, #tpu.memory_space<hbm>> -> memref<128xi32, #tpu.memory_space<hbm>>
    tpu.enqueue_dma source(%dma_start3A_82 : memref<128xi32, #tpu.memory_space<hbm>>) target(%dma_start3A_79 : memref<128xi32, #tpu.memory_space<vmem>>) target_semaphore(%arg14 : memref<!tpu.dma_semaphore, #tpu.memory_space<semaphore_mem>>)
    %dma_wait3A = arith.constant 0 : i32
    %dma_wait3A_83 = arith.constant 0 : i32
    %dma_wait3A_84 = arith.constant 0 : i32
    %dma_wait3A_85 = tpu.memref_slice %arg7[%dma_wait3A_83, %dma_wait3A_84] : memref<2x128xi32, #tpu.memory_space<vmem>> -> memref<1x128xi32, #tpu.memory_space<vmem>>
    %dma_wait3A_86 = tpu.memref_squeeze %dma_wait3A_85 : memref<1x128xi32, #tpu.memory_space<vmem>> -> memref<128xi32, #tpu.memory_space<vmem>>
    %dma_wait3A_87 = arith.constant 0 : i32
    %dma_wait3A_88 = tpu.memref_slice %arg3[%add3A, %dma_wait3A, %dma_wait3A_87] : memref<32x80x128xi32, #tpu.memory_space<hbm>> -> memref<1x1x128xi32, #tpu.memory_space<hbm>>
    %dma_wait3A_89 = tpu.memref_squeeze %dma_wait3A_88 : memref<1x1x128xi32, #tpu.memory_space<hbm>> -> memref<128xi32, #tpu.memory_space<hbm>>
    %dma_wait3A_90 = arith.constant 0 : i32
    %dma_wait3A_91 = tpu.memref_slice %arg7[%dma_wait3A_83, %dma_wait3A_90] : memref<2x128xi32, #tpu.memory_space<vmem>> -> memref<1x128xi32, #tpu.memory_space<vmem>>
    %dma_wait3A_92 = tpu.memref_squeeze %dma_wait3A_91 : memref<1x128xi32, #tpu.memory_space<vmem>> -> memref<128xi32, #tpu.memory_space<vmem>>
    %dma_wait3A_93 = arith.constant 0 : i32
    %dma_wait3A_94 = tpu.memref_slice %arg3[%add3A, %dma_wait3A, %dma_wait3A_93] : memref<32x80x128xi32, #tpu.memory_space<hbm>> -> memref<1x1x128xi32, #tpu.memory_space<hbm>>
    %dma_wait3A_95 = tpu.memref_squeeze %dma_wait3A_94 : memref<1x1x128xi32, #tpu.memory_space<hbm>> -> memref<128xi32, #tpu.memory_space<hbm>>
    tpu.wait_dma2 semaphore(%arg11 : memref<!tpu.dma_semaphore, #tpu.memory_space<semaphore_mem>>) src(%dma_wait3A_95 : memref<128xi32, #tpu.memory_space<hbm>>) dst(%dma_wait3A_92 : memref<128xi32, #tpu.memory_space<vmem>>)
    %dma_start3A_96 = arith.constant 0 : i32
    %dma_start3A_97 = arith.constant 0 : i32
    %dma_start3A_98 = arith.constant 0 : i32
    %dma_start3A_99 = arith.constant 0 : i32
    %dma_start3A_100 = tpu.memref_slice %arg9[%dma_start3A_97, %dma_start3A_98, %dma_start3A_99] : memref<2x128x128xf32, #tpu.memory_space<vmem>> -> memref<1x128x128xf32, #tpu.memory_space<vmem>>
    %dma_start3A_101 = tpu.memref_squeeze %dma_start3A_100 : memref<1x128x128xf32, #tpu.memory_space<vmem>> -> memref<128x128xf32, #tpu.memory_space<vmem>>
    %dma_start3A_102 = arith.constant 0 : i32
    %dma_start3A_103 = tpu.memref_slice %arg7[%dma_start3A_96, %dma_start3A_102] : memref<2x128xi32, #tpu.memory_space<vmem>> -> memref<1x128xi32, #tpu.memory_space<vmem>>
    %dma_start3A_104 = tpu.memref_squeeze %dma_start3A_103 : memref<1x128xi32, #tpu.memory_space<vmem>> -> memref<128xi32, #tpu.memory_space<vmem>>
    %dma_start3A_105 = arith.constant 0 : i32
    %dma_start3A_106 = arith.constant 0 : i32
    %dma_start3A_107 = tpu.memref_slice %arg2[%dma_start3A_105, %dma_start3A_106] : memref<10240x128xf32, #tpu.memory_space<hbm>> -> memref<10240x128xf32, #tpu.memory_space<hbm>>
    tpu.enqueue_indirect_dma source(%dma_start3A_107 : memref<10240x128xf32, #tpu.memory_space<hbm>>) target(%dma_start3A_101 : memref<128x128xf32, #tpu.memory_space<vmem>>) offsets(%dma_start3A_104 : memref<128xi32, #tpu.memory_space<vmem>>) semaphore(%arg15 : memref<!tpu.dma_semaphore, #tpu.memory_space<semaphore_mem>>)
    %jit3A_108 = arith.constant 2 : i32
    %div3A = arith.divsi %select_n3A, %jit3A_108 : i32
    %sign3A = arith.constant 0 : i32
    %sign3A_109 = arith.cmpi sgt, %select_n3A, %sign3A : i32
    %sign3A_110 = arith.extui %sign3A_109 : i1 to i32
    %sign3A_111 = arith.constant 0 : i32
    %sign3A_112 = arith.cmpi slt, %select_n3A, %sign3A_111 : i32
    %sign3A_113 = arith.extui %sign3A_112 : i1 to i32
    %sign3A_114 = arith.subi %sign3A_110, %sign3A_113 : i32
    %sign3A_115 = arith.constant 0 : i32
    %sign3A_116 = arith.cmpi sgt, %jit3A_108, %sign3A_115 : i32
    %sign3A_117 = arith.extui %sign3A_116 : i1 to i32
    %sign3A_118 = arith.constant 0 : i32
    %sign3A_119 = arith.cmpi slt, %jit3A_108, %sign3A_118 : i32
    %sign3A_120 = arith.extui %sign3A_119 : i1 to i32
    %sign3A_121 = arith.subi %sign3A_117, %sign3A_120 : i32
    %ne3A = arith.cmpi ne, %sign3A_114, %sign3A_121 : i32
    %rem3A = arith.remsi %select_n3A, %jit3A_108 : i32
    %ne3A_122 = arith.constant 0 : i32
    %ne3A_123 = arith.cmpi ne, %rem3A, %ne3A_122 : i32
    %and3A = arith.andi %ne3A, %ne3A_123 : i1
    %sub3A = arith.constant 1 : i32
    %sub3A_124 = arith.subi %div3A, %sub3A : i32
    %select_n3A_125 = arith.select %and3A, %sub3A_124, %div3A : i32
    %while3A = arith.constant 0 : i32
    %while3A_126 = arith.constant 0 : i32
    %while3A_127 = arith.subi %select_n3A_125, %while3A_126 : i32
    %while3A_128 = arith.addi %while3A_126, %while3A_127 : i32
    %while3A_129 = arith.constant 1 : i32
    %while3A_130 = arith.divsi %while3A_127, %while3A_129 : i32
    %while3A_131 = arith.muli %while3A_130, %while3A_129 : i32
    %while3A_132 = arith.addi %while3A_126, %while3A_131 : i32
    %while3A_133 = arith.constant 1 : i32
    scf.for %while3A_201 = %while3A_126 to %while3A_132 step %while3A_133  : i32 {
      %mul3A_202 = arith.constant 2 : i32
      %mul3A_203 = arith.muli %while3A_201, %mul3A_202 : i32
      %add3A_204 = arith.constant 0 : i32
      %add3A_205 = arith.addi %mul3A_203, %add3A_204 : i32
      %add3A_206 = arith.constant 2 : i32
      %add3A_207 = arith.addi %add3A_205, %add3A_206 : i32
      %sub3A_208 = arith.constant 1 : i32
      %sub3A_209 = arith.subi %add3A_207, %sub3A_208 : i32
      %lt3A = arith.cmpi slt, %sub3A_209, %select_n3A : i32
      %convert_element_type3A = arith.extui %lt3A : i1 to i32
      %cond3A = arith.constant 0 : i32
      %cond3A_210 = arith.cmpi ne, %convert_element_type3A, %cond3A : i32
      scf.if %cond3A_210 {
        %add3A_289 = arith.constant 2 : i32
        %add3A_290 = arith.addi %add3A_205, %add3A_289 : i32
        %sub3A_291 = arith.constant 1 : i32
        %sub3A_292 = arith.subi %add3A_290, %sub3A_291 : i32
        %dma_wait3A_293 = arith.constant 1 : i32
        %dma_wait3A_294 = arith.constant 0 : i32
        %dma_wait3A_295 = tpu.memref_slice %arg7[%dma_wait3A_293, %dma_wait3A_294] : memref<2x128xi32, #tpu.memory_space<vmem>> -> memref<1x128xi32, #tpu.memory_space<vmem>>
        %dma_wait3A_296 = tpu.memref_squeeze %dma_wait3A_295 : memref<1x128xi32, #tpu.memory_space<vmem>> -> memref<128xi32, #tpu.memory_space<vmem>>
        %dma_wait3A_297 = arith.constant 0 : i32
        %dma_wait3A_298 = tpu.memref_slice %arg3[%add3A, %sub3A_292, %dma_wait3A_297] : memref<32x80x128xi32, #tpu.memory_space<hbm>> -> memref<1x1x128xi32, #tpu.memory_space<hbm>>
        %dma_wait3A_299 = tpu.memref_squeeze %dma_wait3A_298 : memref<1x1x128xi32, #tpu.memory_space<hbm>> -> memref<128xi32, #tpu.memory_space<hbm>>
        %dma_wait3A_300 = arith.constant 0 : i32
        %dma_wait3A_301 = tpu.memref_slice %arg7[%dma_wait3A_293, %dma_wait3A_300] : memref<2x128xi32, #tpu.memory_space<vmem>> -> memref<1x128xi32, #tpu.memory_space<vmem>>
        %dma_wait3A_302 = tpu.memref_squeeze %dma_wait3A_301 : memref<1x128xi32, #tpu.memory_space<vmem>> -> memref<128xi32, #tpu.memory_space<vmem>>
        %dma_wait3A_303 = arith.constant 0 : i32
        %dma_wait3A_304 = tpu.memref_slice %arg3[%add3A, %sub3A_292, %dma_wait3A_303] : memref<32x80x128xi32, #tpu.memory_space<hbm>> -> memref<1x1x128xi32, #tpu.memory_space<hbm>>
        %dma_wait3A_305 = tpu.memref_squeeze %dma_wait3A_304 : memref<1x1x128xi32, #tpu.memory_space<hbm>> -> memref<128xi32, #tpu.memory_space<hbm>>
        tpu.wait_dma2 semaphore(%arg12 : memref<!tpu.dma_semaphore, #tpu.memory_space<semaphore_mem>>) src(%dma_wait3A_305 : memref<128xi32, #tpu.memory_space<hbm>>) dst(%dma_wait3A_302 : memref<128xi32, #tpu.memory_space<vmem>>)
        %dma_start3A_306 = arith.constant 1 : i32
        %dma_start3A_307 = arith.constant 1 : i32
        %dma_start3A_308 = arith.constant 0 : i32
        %dma_start3A_309 = arith.constant 0 : i32
        %dma_start3A_310 = tpu.memref_slice %arg9[%dma_start3A_307, %dma_start3A_308, %dma_start3A_309] : memref<2x128x128xf32, #tpu.memory_space<vmem>> -> memref<1x128x128xf32, #tpu.memory_space<vmem>>
        %dma_start3A_311 = tpu.memref_squeeze %dma_start3A_310 : memref<1x128x128xf32, #tpu.memory_space<vmem>> -> memref<128x128xf32, #tpu.memory_space<vmem>>
        %dma_start3A_312 = arith.constant 0 : i32
        %dma_start3A_313 = tpu.memref_slice %arg7[%dma_start3A_306, %dma_start3A_312] : memref<2x128xi32, #tpu.memory_space<vmem>> -> memref<1x128xi32, #tpu.memory_space<vmem>>
        %dma_start3A_314 = tpu.memref_squeeze %dma_start3A_313 : memref<1x128xi32, #tpu.memory_space<vmem>> -> memref<128xi32, #tpu.memory_space<vmem>>
        %dma_start3A_315 = arith.constant 0 : i32
        %dma_start3A_316 = arith.constant 0 : i32
        %dma_start3A_317 = tpu.memref_slice %arg2[%dma_start3A_315, %dma_start3A_316] : memref<10240x128xf32, #tpu.memory_space<hbm>> -> memref<10240x128xf32, #tpu.memory_space<hbm>>
        tpu.enqueue_indirect_dma source(%dma_start3A_317 : memref<10240x128xf32, #tpu.memory_space<hbm>>) target(%dma_start3A_311 : memref<128x128xf32, #tpu.memory_space<vmem>>) offsets(%dma_start3A_314 : memref<128xi32, #tpu.memory_space<vmem>>) semaphore(%arg16 : memref<!tpu.dma_semaphore, #tpu.memory_space<semaphore_mem>>)
      } else {
      }
      %dma_wait3A_211 = arith.constant 0 : i32
      %dma_wait3A_212 = arith.constant 0 : i32
      %dma_wait3A_213 = arith.constant 0 : i32
      %dma_wait3A_214 = arith.constant 0 : i32
      %dma_wait3A_215 = tpu.memref_slice %arg9[%dma_wait3A_212, %dma_wait3A_213, %dma_wait3A_214] : memref<2x128x128xf32, #tpu.memory_space<vmem>> -> memref<1x128x128xf32, #tpu.memory_space<vmem>>
      %dma_wait3A_216 = tpu.memref_squeeze %dma_wait3A_215 : memref<1x128x128xf32, #tpu.memory_space<vmem>> -> memref<128x128xf32, #tpu.memory_space<vmem>>
      %dma_wait3A_217 = arith.constant 0 : i32
      %dma_wait3A_218 = tpu.memref_slice %arg7[%dma_wait3A_211, %dma_wait3A_217] : memref<2x128xi32, #tpu.memory_space<vmem>> -> memref<1x128xi32, #tpu.memory_space<vmem>>
      %dma_wait3A_219 = tpu.memref_squeeze %dma_wait3A_218 : memref<1x128xi32, #tpu.memory_space<vmem>> -> memref<128xi32, #tpu.memory_space<vmem>>
      %dma_wait3A_220 = arith.constant 0 : i32
      %dma_wait3A_221 = arith.constant 0 : i32
      %dma_wait3A_222 = tpu.memref_slice %arg2[%dma_wait3A_220, %dma_wait3A_221] : memref<10240x128xf32, #tpu.memory_space<hbm>> -> memref<10240x128xf32, #tpu.memory_space<hbm>>
      tpu.wait_indirect_dma semaphore(%arg15 : memref<!tpu.dma_semaphore, #tpu.memory_space<semaphore_mem>>) src(%dma_wait3A_222 : memref<10240x128xf32, #tpu.memory_space<hbm>>) dst(%dma_wait3A_216 : memref<128x128xf32, #tpu.memory_space<vmem>>)
      %dma_wait3A_223 = arith.constant 0 : i32
      %dma_wait3A_224 = arith.constant 0 : i32
      %dma_wait3A_225 = tpu.memref_slice %arg8[%dma_wait3A_223, %dma_wait3A_224] : memref<2x128xi32, #tpu.memory_space<vmem>> -> memref<1x128xi32, #tpu.memory_space<vmem>>
      %dma_wait3A_226 = tpu.memref_squeeze %dma_wait3A_225 : memref<1x128xi32, #tpu.memory_space<vmem>> -> memref<128xi32, #tpu.memory_space<vmem>>
      %dma_wait3A_227 = arith.constant 0 : i32
      %dma_wait3A_228 = tpu.memref_slice %arg4[%add3A, %add3A_205, %dma_wait3A_227] : memref<32x80x128xi32, #tpu.memory_space<hbm>> -> memref<1x1x128xi32, #tpu.memory_space<hbm>>
      %dma_wait3A_229 = tpu.memref_squeeze %dma_wait3A_228 : memref<1x1x128xi32, #tpu.memory_space<hbm>> -> memref<128xi32, #tpu.memory_space<hbm>>
      %dma_wait3A_230 = arith.constant 0 : i32
      %dma_wait3A_231 = tpu.memref_slice %arg8[%dma_wait3A_223, %dma_wait3A_230] : memref<2x128xi32, #tpu.memory_space<vmem>> -> memref<1x128xi32, #tpu.memory_space<vmem>>
      %dma_wait3A_232 = tpu.memref_squeeze %dma_wait3A_231 : memref<1x128xi32, #tpu.memory_space<vmem>> -> memref<128xi32, #tpu.memory_space<vmem>>
      %dma_wait3A_233 = arith.constant 0 : i32
      %dma_wait3A_234 = tpu.memref_slice %arg4[%add3A, %add3A_205, %dma_wait3A_233] : memref<32x80x128xi32, #tpu.memory_space<hbm>> -> memref<1x1x128xi32, #tpu.memory_space<hbm>>
      %dma_wait3A_235 = tpu.memref_squeeze %dma_wait3A_234 : memref<1x1x128xi32, #tpu.memory_space<hbm>> -> memref<128xi32, #tpu.memory_space<hbm>>
      tpu.wait_dma2 semaphore(%arg13 : memref<!tpu.dma_semaphore, #tpu.memory_space<semaphore_mem>>) src(%dma_wait3A_235 : memref<128xi32, #tpu.memory_space<hbm>>) dst(%dma_wait3A_232 : memref<128xi32, #tpu.memory_space<vmem>>)
      %run_scoped3A_236 = arith.constant 0 : i32
      %run_scoped3A_237 = arith.constant 0 : i32
      "tpu.region"() ({
        %run_scoped3A_289 = tpu.sem_alloc : memref<!tpu.dma_semaphore, #tpu.memory_space<semaphore_mem>>
        %dma_start3A_290 = arith.constant 0 : i32
        %dma_start3A_291 = arith.constant 0 : i32
        %dma_start3A_292 = tpu.memref_slice %arg9[%run_scoped3A_236, %dma_start3A_290, %dma_start3A_291] : memref<2x128x128xf32, #tpu.memory_space<vmem>> -> memref<1x128x128xf32, #tpu.memory_space<vmem>>
        %dma_start3A_293 = tpu.memref_squeeze %dma_start3A_292 : memref<1x128x128xf32, #tpu.memory_space<vmem>> -> memref<128x128xf32, #tpu.memory_space<vmem>>
        %dma_start3A_294 = arith.constant 0 : i32
        %dma_start3A_295 = tpu.memref_slice %arg8[%run_scoped3A_237, %dma_start3A_294] : memref<2x128xi32, #tpu.memory_space<vmem>> -> memref<1x128xi32, #tpu.memory_space<vmem>>
        %dma_start3A_296 = tpu.memref_squeeze %dma_start3A_295 : memref<1x128xi32, #tpu.memory_space<vmem>> -> memref<128xi32, #tpu.memory_space<vmem>>
        %dma_start3A_297 = arith.constant 0 : i32
        %dma_start3A_298 = arith.constant 0 : i32
        %dma_start3A_299 = tpu.memref_slice %arg10[%dma_start3A_297, %dma_start3A_298] : memref<10240x128xf32, #tpu.memory_space<vmem_shared>> -> memref<10240x128xf32, #tpu.memory_space<vmem_shared>>
        tpu.enqueue_indirect_dma source(%dma_start3A_293 : memref<128x128xf32, #tpu.memory_space<vmem>>) target(%dma_start3A_299 : memref<10240x128xf32, #tpu.memory_space<vmem_shared>>) offsets(%dma_start3A_296 : memref<128xi32, #tpu.memory_space<vmem>>) semaphore(%run_scoped3A_289 : memref<!tpu.dma_semaphore, #tpu.memory_space<semaphore_mem>>) {add = true}
        %dma_wait3A_300 = arith.constant 0 : i32
        %dma_wait3A_301 = arith.constant 0 : i32
        %dma_wait3A_302 = tpu.memref_slice %arg9[%run_scoped3A_236, %dma_wait3A_300, %dma_wait3A_301] : memref<2x128x128xf32, #tpu.memory_space<vmem>> -> memref<1x128x128xf32, #tpu.memory_space<vmem>>
        %dma_wait3A_303 = tpu.memref_squeeze %dma_wait3A_302 : memref<1x128x128xf32, #tpu.memory_space<vmem>> -> memref<128x128xf32, #tpu.memory_space<vmem>>
        %dma_wait3A_304 = arith.constant 0 : i32
        %dma_wait3A_305 = tpu.memref_slice %arg8[%run_scoped3A_237, %dma_wait3A_304] : memref<2x128xi32, #tpu.memory_space<vmem>> -> memref<1x128xi32, #tpu.memory_space<vmem>>
        %dma_wait3A_306 = tpu.memref_squeeze %dma_wait3A_305 : memref<1x128xi32, #tpu.memory_space<vmem>> -> memref<128xi32, #tpu.memory_space<vmem>>
        %dma_wait3A_307 = arith.constant 0 : i32
        %dma_wait3A_308 = arith.constant 0 : i32
        %dma_wait3A_309 = tpu.memref_slice %arg10[%dma_wait3A_307, %dma_wait3A_308] : memref<10240x128xf32, #tpu.memory_space<vmem_shared>> -> memref<10240x128xf32, #tpu.memory_space<vmem_shared>>
        tpu.wait_indirect_dma semaphore(%run_scoped3A_289 : memref<!tpu.dma_semaphore, #tpu.memory_space<semaphore_mem>>) src(%dma_wait3A_303 : memref<128x128xf32, #tpu.memory_space<vmem>>) dst(%dma_wait3A_309 : memref<10240x128xf32, #tpu.memory_space<vmem_shared>>)
        tpu.yield
      }) : () -> ()
      %add3A_238 = arith.constant 2 : i32
      %add3A_239 = arith.addi %add3A_205, %add3A_238 : i32
      %lt3A_240 = arith.cmpi slt, %add3A_239, %select_n3A : i32
      %convert_element_type3A_241 = arith.extui %lt3A_240 : i1 to i32
      %cond3A_242 = arith.constant 0 : i32
      %cond3A_243 = arith.cmpi ne, %convert_element_type3A_241, %cond3A_242 : i32
      scf.if %cond3A_243 {
        %add3A_289 = arith.constant 2 : i32
        %add3A_290 = arith.addi %add3A_205, %add3A_289 : i32
        %dma_start3A_291 = arith.constant 0 : i32
        %dma_start3A_292 = arith.constant 0 : i32
        %dma_start3A_293 = tpu.memref_slice %arg7[%dma_start3A_291, %dma_start3A_292] : memref<2x128xi32, #tpu.memory_space<vmem>> -> memref<1x128xi32, #tpu.memory_space<vmem>>
        %dma_start3A_294 = tpu.memref_squeeze %dma_start3A_293 : memref<1x128xi32, #tpu.memory_space<vmem>> -> memref<128xi32, #tpu.memory_space<vmem>>
        %dma_start3A_295 = arith.constant 0 : i32
        %dma_start3A_296 = tpu.memref_slice %arg3[%add3A, %add3A_290, %dma_start3A_295] : memref<32x80x128xi32, #tpu.memory_space<hbm>> -> memref<1x1x128xi32, #tpu.memory_space<hbm>>
        %dma_start3A_297 = tpu.memref_squeeze %dma_start3A_296 : memref<1x1x128xi32, #tpu.memory_space<hbm>> -> memref<128xi32, #tpu.memory_space<hbm>>
        %dma_start3A_298 = arith.constant 0 : i32
        %dma_start3A_299 = tpu.memref_slice %arg7[%dma_start3A_291, %dma_start3A_298] : memref<2x128xi32, #tpu.memory_space<vmem>> -> memref<1x128xi32, #tpu.memory_space<vmem>>
        %dma_start3A_300 = tpu.memref_squeeze %dma_start3A_299 : memref<1x128xi32, #tpu.memory_space<vmem>> -> memref<128xi32, #tpu.memory_space<vmem>>
        %dma_start3A_301 = arith.constant 0 : i32
        %dma_start3A_302 = tpu.memref_slice %arg3[%add3A, %add3A_290, %dma_start3A_301] : memref<32x80x128xi32, #tpu.memory_space<hbm>> -> memref<1x1x128xi32, #tpu.memory_space<hbm>>
        %dma_start3A_303 = tpu.memref_squeeze %dma_start3A_302 : memref<1x1x128xi32, #tpu.memory_space<hbm>> -> memref<128xi32, #tpu.memory_space<hbm>>
        tpu.enqueue_dma source(%dma_start3A_303 : memref<128xi32, #tpu.memory_space<hbm>>) target(%dma_start3A_300 : memref<128xi32, #tpu.memory_space<vmem>>) target_semaphore(%arg11 : memref<!tpu.dma_semaphore, #tpu.memory_space<semaphore_mem>>)
        %add3A_304 = arith.constant 2 : i32
        %add3A_305 = arith.addi %add3A_205, %add3A_304 : i32
        %dma_start3A_306 = arith.constant 0 : i32
        %dma_start3A_307 = arith.constant 0 : i32
        %dma_start3A_308 = tpu.memref_slice %arg8[%dma_start3A_306, %dma_start3A_307] : memref<2x128xi32, #tpu.memory_space<vmem>> -> memref<1x128xi32, #tpu.memory_space<vmem>>
        %dma_start3A_309 = tpu.memref_squeeze %dma_start3A_308 : memref<1x128xi32, #tpu.memory_space<vmem>> -> memref<128xi32, #tpu.memory_space<vmem>>
        %dma_start3A_310 = arith.constant 0 : i32
        %dma_start3A_311 = tpu.memref_slice %arg4[%add3A, %add3A_305, %dma_start3A_310] : memref<32x80x128xi32, #tpu.memory_space<hbm>> -> memref<1x1x128xi32, #tpu.memory_space<hbm>>
        %dma_start3A_312 = tpu.memref_squeeze %dma_start3A_311 : memref<1x1x128xi32, #tpu.memory_space<hbm>> -> memref<128xi32, #tpu.memory_space<hbm>>
        %dma_start3A_313 = arith.constant 0 : i32
        %dma_start3A_314 = tpu.memref_slice %arg8[%dma_start3A_306, %dma_start3A_313] : memref<2x128xi32, #tpu.memory_space<vmem>> -> memref<1x128xi32, #tpu.memory_space<vmem>>
        %dma_start3A_315 = tpu.memref_squeeze %dma_start3A_314 : memref<1x128xi32, #tpu.memory_space<vmem>> -> memref<128xi32, #tpu.memory_space<vmem>>
        %dma_start3A_316 = arith.constant 0 : i32
        %dma_start3A_317 = tpu.memref_slice %arg4[%add3A, %add3A_305, %dma_start3A_316] : memref<32x80x128xi32, #tpu.memory_space<hbm>> -> memref<1x1x128xi32, #tpu.memory_space<hbm>>
        %dma_start3A_318 = tpu.memref_squeeze %dma_start3A_317 : memref<1x1x128xi32, #tpu.memory_space<hbm>> -> memref<128xi32, #tpu.memory_space<hbm>>
        tpu.enqueue_dma source(%dma_start3A_318 : memref<128xi32, #tpu.memory_space<hbm>>) target(%dma_start3A_315 : memref<128xi32, #tpu.memory_space<vmem>>) target_semaphore(%arg13 : memref<!tpu.dma_semaphore, #tpu.memory_space<semaphore_mem>>)
      } else {
      }
      %mul3A_244 = arith.constant 2 : i32
      %mul3A_245 = arith.muli %while3A_201, %mul3A_244 : i32
      %add3A_246 = arith.constant 1 : i32
      %add3A_247 = arith.addi %mul3A_245, %add3A_246 : i32
      %add3A_248 = arith.constant 2 : i32
      %add3A_249 = arith.addi %add3A_247, %add3A_248 : i32
      %sub3A_250 = arith.constant 1 : i32
      %sub3A_251 = arith.subi %add3A_249, %sub3A_250 : i32
      %lt3A_252 = arith.cmpi slt, %sub3A_251, %select_n3A : i32
      %convert_element_type3A_253 = arith.extui %lt3A_252 : i1 to i32
      %cond3A_254 = arith.constant 0 : i32
      %cond3A_255 = arith.cmpi ne, %convert_element_type3A_253, %cond3A_254 : i32
      scf.if %cond3A_255 {
        %add3A_289 = arith.constant 2 : i32
        %add3A_290 = arith.addi %add3A_247, %add3A_289 : i32
        %sub3A_291 = arith.constant 1 : i32
        %sub3A_292 = arith.subi %add3A_290, %sub3A_291 : i32
        %dma_wait3A_293 = arith.constant 0 : i32
        %dma_wait3A_294 = arith.constant 0 : i32
        %dma_wait3A_295 = tpu.memref_slice %arg7[%dma_wait3A_293, %dma_wait3A_294] : memref<2x128xi32, #tpu.memory_space<vmem>> -> memref<1x128xi32, #tpu.memory_space<vmem>>
        %dma_wait3A_296 = tpu.memref_squeeze %dma_wait3A_295 : memref<1x128xi32, #tpu.memory_space<vmem>> -> memref<128xi32, #tpu.memory_space<vmem>>
        %dma_wait3A_297 = arith.constant 0 : i32
        %dma_wait3A_298 = tpu.memref_slice %arg3[%add3A, %sub3A_292, %dma_wait3A_297] : memref<32x80x128xi32, #tpu.memory_space<hbm>> -> memref<1x1x128xi32, #tpu.memory_space<hbm>>
        %dma_wait3A_299 = tpu.memref_squeeze %dma_wait3A_298 : memref<1x1x128xi32, #tpu.memory_space<hbm>> -> memref<128xi32, #tpu.memory_space<hbm>>
        %dma_wait3A_300 = arith.constant 0 : i32
        %dma_wait3A_301 = tpu.memref_slice %arg7[%dma_wait3A_293, %dma_wait3A_300] : memref<2x128xi32, #tpu.memory_space<vmem>> -> memref<1x128xi32, #tpu.memory_space<vmem>>
        %dma_wait3A_302 = tpu.memref_squeeze %dma_wait3A_301 : memref<1x128xi32, #tpu.memory_space<vmem>> -> memref<128xi32, #tpu.memory_space<vmem>>
        %dma_wait3A_303 = arith.constant 0 : i32
        %dma_wait3A_304 = tpu.memref_slice %arg3[%add3A, %sub3A_292, %dma_wait3A_303] : memref<32x80x128xi32, #tpu.memory_space<hbm>> -> memref<1x1x128xi32, #tpu.memory_space<hbm>>
        %dma_wait3A_305 = tpu.memref_squeeze %dma_wait3A_304 : memref<1x1x128xi32, #tpu.memory_space<hbm>> -> memref<128xi32, #tpu.memory_space<hbm>>
        tpu.wait_dma2 semaphore(%arg11 : memref<!tpu.dma_semaphore, #tpu.memory_space<semaphore_mem>>) src(%dma_wait3A_305 : memref<128xi32, #tpu.memory_space<hbm>>) dst(%dma_wait3A_302 : memref<128xi32, #tpu.memory_space<vmem>>)
        %dma_start3A_306 = arith.constant 0 : i32
        %dma_start3A_307 = arith.constant 0 : i32
        %dma_start3A_308 = arith.constant 0 : i32
        %dma_start3A_309 = arith.constant 0 : i32
        %dma_start3A_310 = tpu.memref_slice %arg9[%dma_start3A_307, %dma_start3A_308, %dma_start3A_309] : memref<2x128x128xf32, #tpu.memory_space<vmem>> -> memref<1x128x128xf32, #tpu.memory_space<vmem>>
        %dma_start3A_311 = tpu.memref_squeeze %dma_start3A_310 : memref<1x128x128xf32, #tpu.memory_space<vmem>> -> memref<128x128xf32, #tpu.memory_space<vmem>>
        %dma_start3A_312 = arith.constant 0 : i32
        %dma_start3A_313 = tpu.memref_slice %arg7[%dma_start3A_306, %dma_start3A_312] : memref<2x128xi32, #tpu.memory_space<vmem>> -> memref<1x128xi32, #tpu.memory_space<vmem>>
        %dma_start3A_314 = tpu.memref_squeeze %dma_start3A_313 : memref<1x128xi32, #tpu.memory_space<vmem>> -> memref<128xi32, #tpu.memory_space<vmem>>
        %dma_start3A_315 = arith.constant 0 : i32
        %dma_start3A_316 = arith.constant 0 : i32
        %dma_start3A_317 = tpu.memref_slice %arg2[%dma_start3A_315, %dma_start3A_316] : memref<10240x128xf32, #tpu.memory_space<hbm>> -> memref<10240x128xf32, #tpu.memory_space<hbm>>
        tpu.enqueue_indirect_dma source(%dma_start3A_317 : memref<10240x128xf32, #tpu.memory_space<hbm>>) target(%dma_start3A_311 : memref<128x128xf32, #tpu.memory_space<vmem>>) offsets(%dma_start3A_314 : memref<128xi32, #tpu.memory_space<vmem>>) semaphore(%arg15 : memref<!tpu.dma_semaphore, #tpu.memory_space<semaphore_mem>>)
      } else {
      }
      %dma_wait3A_256 = arith.constant 1 : i32
      %dma_wait3A_257 = arith.constant 1 : i32
      %dma_wait3A_258 = arith.constant 0 : i32
      %dma_wait3A_259 = arith.constant 0 : i32
      %dma_wait3A_260 = tpu.memref_slice %arg9[%dma_wait3A_257, %dma_wait3A_258, %dma_wait3A_259] : memref<2x128x128xf32, #tpu.memory_space<vmem>> -> memref<1x128x128xf32, #tpu.memory_space<vmem>>
      %dma_wait3A_261 = tpu.memref_squeeze %dma_wait3A_260 : memref<1x128x128xf32, #tpu.memory_space<vmem>> -> memref<128x128xf32, #tpu.memory_space<vmem>>
      %dma_wait3A_262 = arith.constant 0 : i32
      %dma_wait3A_263 = tpu.memref_slice %arg7[%dma_wait3A_256, %dma_wait3A_262] : memref<2x128xi32, #tpu.memory_space<vmem>> -> memref<1x128xi32, #tpu.memory_space<vmem>>
      %dma_wait3A_264 = tpu.memref_squeeze %dma_wait3A_263 : memref<1x128xi32, #tpu.memory_space<vmem>> -> memref<128xi32, #tpu.memory_space<vmem>>
      %dma_wait3A_265 = arith.constant 0 : i32
      %dma_wait3A_266 = arith.constant 0 : i32
      %dma_wait3A_267 = tpu.memref_slice %arg2[%dma_wait3A_265, %dma_wait3A_266] : memref<10240x128xf32, #tpu.memory_space<hbm>> -> memref<10240x128xf32, #tpu.memory_space<hbm>>
      tpu.wait_indirect_dma semaphore(%arg16 : memref<!tpu.dma_semaphore, #tpu.memory_space<semaphore_mem>>) src(%dma_wait3A_267 : memref<10240x128xf32, #tpu.memory_space<hbm>>) dst(%dma_wait3A_261 : memref<128x128xf32, #tpu.memory_space<vmem>>)
      %dma_wait3A_268 = arith.constant 1 : i32
      %dma_wait3A_269 = arith.constant 0 : i32
      %dma_wait3A_270 = tpu.memref_slice %arg8[%dma_wait3A_268, %dma_wait3A_269] : memref<2x128xi32, #tpu.memory_space<vmem>> -> memref<1x128xi32, #tpu.memory_space<vmem>>
      %dma_wait3A_271 = tpu.memref_squeeze %dma_wait3A_270 : memref<1x128xi32, #tpu.memory_space<vmem>> -> memref<128xi32, #tpu.memory_space<vmem>>
      %dma_wait3A_272 = arith.constant 0 : i32
      %dma_wait3A_273 = tpu.memref_slice %arg4[%add3A, %add3A_247, %dma_wait3A_272] : memref<32x80x128xi32, #tpu.memory_space<hbm>> -> memref<1x1x128xi32, #tpu.memory_space<hbm>>
      %dma_wait3A_274 = tpu.memref_squeeze %dma_wait3A_273 : memref<1x1x128xi32, #tpu.memory_space<hbm>> -> memref<128xi32, #tpu.memory_space<hbm>>
      %dma_wait3A_275 = arith.constant 0 : i32
      %dma_wait3A_276 = tpu.memref_slice %arg8[%dma_wait3A_268, %dma_wait3A_275] : memref<2x128xi32, #tpu.memory_space<vmem>> -> memref<1x128xi32, #tpu.memory_space<vmem>>
      %dma_wait3A_277 = tpu.memref_squeeze %dma_wait3A_276 : memref<1x128xi32, #tpu.memory_space<vmem>> -> memref<128xi32, #tpu.memory_space<vmem>>
      %dma_wait3A_278 = arith.constant 0 : i32
      %dma_wait3A_279 = tpu.memref_slice %arg4[%add3A, %add3A_247, %dma_wait3A_278] : memref<32x80x128xi32, #tpu.memory_space<hbm>> -> memref<1x1x128xi32, #tpu.memory_space<hbm>>
      %dma_wait3A_280 = tpu.memref_squeeze %dma_wait3A_279 : memref<1x1x128xi32, #tpu.memory_space<hbm>> -> memref<128xi32, #tpu.memory_space<hbm>>
      tpu.wait_dma2 semaphore(%arg14 : memref<!tpu.dma_semaphore, #tpu.memory_space<semaphore_mem>>) src(%dma_wait3A_280 : memref<128xi32, #tpu.memory_space<hbm>>) dst(%dma_wait3A_277 : memref<128xi32, #tpu.memory_space<vmem>>)
      %run_scoped3A_281 = arith.constant 1 : i32
      %run_scoped3A_282 = arith.constant 1 : i32
      "tpu.region"() ({
        %run_scoped3A_289 = tpu.sem_alloc : memref<!tpu.dma_semaphore, #tpu.memory_space<semaphore_mem>>
        %dma_start3A_290 = arith.constant 0 : i32
        %dma_start3A_291 = arith.constant 0 : i32
        %dma_start3A_292 = tpu.memref_slice %arg9[%run_scoped3A_281, %dma_start3A_290, %dma_start3A_291] : memref<2x128x128xf32, #tpu.memory_space<vmem>> -> memref<1x128x128xf32, #tpu.memory_space<vmem>>
        %dma_start3A_293 = tpu.memref_squeeze %dma_start3A_292 : memref<1x128x128xf32, #tpu.memory_space<vmem>> -> memref<128x128xf32, #tpu.memory_space<vmem>>
        %dma_start3A_294 = arith.constant 0 : i32
        %dma_start3A_295 = tpu.memref_slice %arg8[%run_scoped3A_282, %dma_start3A_294] : memref<2x128xi32, #tpu.memory_space<vmem>> -> memref<1x128xi32, #tpu.memory_space<vmem>>
        %dma_start3A_296 = tpu.memref_squeeze %dma_start3A_295 : memref<1x128xi32, #tpu.memory_space<vmem>> -> memref<128xi32, #tpu.memory_space<vmem>>
        %dma_start3A_297 = arith.constant 0 : i32
        %dma_start3A_298 = arith.constant 0 : i32
        %dma_start3A_299 = tpu.memref_slice %arg10[%dma_start3A_297, %dma_start3A_298] : memref<10240x128xf32, #tpu.memory_space<vmem_shared>> -> memref<10240x128xf32, #tpu.memory_space<vmem_shared>>
        tpu.enqueue_indirect_dma source(%dma_start3A_293 : memref<128x128xf32, #tpu.memory_space<vmem>>) target(%dma_start3A_299 : memref<10240x128xf32, #tpu.memory_space<vmem_shared>>) offsets(%dma_start3A_296 : memref<128xi32, #tpu.memory_space<vmem>>) semaphore(%run_scoped3A_289 : memref<!tpu.dma_semaphore, #tpu.memory_space<semaphore_mem>>) {add = true}
        %dma_wait3A_300 = arith.constant 0 : i32
        %dma_wait3A_301 = arith.constant 0 : i32
        %dma_wait3A_302 = tpu.memref_slice %arg9[%run_scoped3A_281, %dma_wait3A_300, %dma_wait3A_301] : memref<2x128x128xf32, #tpu.memory_space<vmem>> -> memref<1x128x128xf32, #tpu.memory_space<vmem>>
        %dma_wait3A_303 = tpu.memref_squeeze %dma_wait3A_302 : memref<1x128x128xf32, #tpu.memory_space<vmem>> -> memref<128x128xf32, #tpu.memory_space<vmem>>
        %dma_wait3A_304 = arith.constant 0 : i32
        %dma_wait3A_305 = tpu.memref_slice %arg8[%run_scoped3A_282, %dma_wait3A_304] : memref<2x128xi32, #tpu.memory_space<vmem>> -> memref<1x128xi32, #tpu.memory_space<vmem>>
        %dma_wait3A_306 = tpu.memref_squeeze %dma_wait3A_305 : memref<1x128xi32, #tpu.memory_space<vmem>> -> memref<128xi32, #tpu.memory_space<vmem>>
        %dma_wait3A_307 = arith.constant 0 : i32
        %dma_wait3A_308 = arith.constant 0 : i32
        %dma_wait3A_309 = tpu.memref_slice %arg10[%dma_wait3A_307, %dma_wait3A_308] : memref<10240x128xf32, #tpu.memory_space<vmem_shared>> -> memref<10240x128xf32, #tpu.memory_space<vmem_shared>>
        tpu.wait_indirect_dma semaphore(%run_scoped3A_289 : memref<!tpu.dma_semaphore, #tpu.memory_space<semaphore_mem>>) src(%dma_wait3A_303 : memref<128x128xf32, #tpu.memory_space<vmem>>) dst(%dma_wait3A_309 : memref<10240x128xf32, #tpu.memory_space<vmem_shared>>)
        tpu.yield
      }) : () -> ()
      %add3A_283 = arith.constant 2 : i32
      %add3A_284 = arith.addi %add3A_247, %add3A_283 : i32
      %lt3A_285 = arith.cmpi slt, %add3A_284, %select_n3A : i32
      %convert_element_type3A_286 = arith.extui %lt3A_285 : i1 to i32
      %cond3A_287 = arith.constant 0 : i32
      %cond3A_288 = arith.cmpi ne, %convert_element_type3A_286, %cond3A_287 : i32
      scf.if %cond3A_288 {
        %add3A_289 = arith.constant 2 : i32
        %add3A_290 = arith.addi %add3A_247, %add3A_289 : i32
        %dma_start3A_291 = arith.constant 1 : i32
        %dma_start3A_292 = arith.constant 0 : i32
        %dma_start3A_293 = tpu.memref_slice %arg7[%dma_start3A_291, %dma_start3A_292] : memref<2x128xi32, #tpu.memory_space<vmem>> -> memref<1x128xi32, #tpu.memory_space<vmem>>
        %dma_start3A_294 = tpu.memref_squeeze %dma_start3A_293 : memref<1x128xi32, #tpu.memory_space<vmem>> -> memref<128xi32, #tpu.memory_space<vmem>>
        %dma_start3A_295 = arith.constant 0 : i32
        %dma_start3A_296 = tpu.memref_slice %arg3[%add3A, %add3A_290, %dma_start3A_295] : memref<32x80x128xi32, #tpu.memory_space<hbm>> -> memref<1x1x128xi32, #tpu.memory_space<hbm>>
        %dma_start3A_297 = tpu.memref_squeeze %dma_start3A_296 : memref<1x1x128xi32, #tpu.memory_space<hbm>> -> memref<128xi32, #tpu.memory_space<hbm>>
        %dma_start3A_298 = arith.constant 0 : i32
        %dma_start3A_299 = tpu.memref_slice %arg7[%dma_start3A_291, %dma_start3A_298] : memref<2x128xi32, #tpu.memory_space<vmem>> -> memref<1x128xi32, #tpu.memory_space<vmem>>
        %dma_start3A_300 = tpu.memref_squeeze %dma_start3A_299 : memref<1x128xi32, #tpu.memory_space<vmem>> -> memref<128xi32, #tpu.memory_space<vmem>>
        %dma_start3A_301 = arith.constant 0 : i32
        %dma_start3A_302 = tpu.memref_slice %arg3[%add3A, %add3A_290, %dma_start3A_301] : memref<32x80x128xi32, #tpu.memory_space<hbm>> -> memref<1x1x128xi32, #tpu.memory_space<hbm>>
        %dma_start3A_303 = tpu.memref_squeeze %dma_start3A_302 : memref<1x1x128xi32, #tpu.memory_space<hbm>> -> memref<128xi32, #tpu.memory_space<hbm>>
        tpu.enqueue_dma source(%dma_start3A_303 : memref<128xi32, #tpu.memory_space<hbm>>) target(%dma_start3A_300 : memref<128xi32, #tpu.memory_space<vmem>>) target_semaphore(%arg12 : memref<!tpu.dma_semaphore, #tpu.memory_space<semaphore_mem>>)
        %add3A_304 = arith.constant 2 : i32
        %add3A_305 = arith.addi %add3A_247, %add3A_304 : i32
        %dma_start3A_306 = arith.constant 1 : i32
        %dma_start3A_307 = arith.constant 0 : i32
        %dma_start3A_308 = tpu.memref_slice %arg8[%dma_start3A_306, %dma_start3A_307] : memref<2x128xi32, #tpu.memory_space<vmem>> -> memref<1x128xi32, #tpu.memory_space<vmem>>
        %dma_start3A_309 = tpu.memref_squeeze %dma_start3A_308 : memref<1x128xi32, #tpu.memory_space<vmem>> -> memref<128xi32, #tpu.memory_space<vmem>>
        %dma_start3A_310 = arith.constant 0 : i32
        %dma_start3A_311 = tpu.memref_slice %arg4[%add3A, %add3A_305, %dma_start3A_310] : memref<32x80x128xi32, #tpu.memory_space<hbm>> -> memref<1x1x128xi32, #tpu.memory_space<hbm>>
        %dma_start3A_312 = tpu.memref_squeeze %dma_start3A_311 : memref<1x1x128xi32, #tpu.memory_space<hbm>> -> memref<128xi32, #tpu.memory_space<hbm>>
        %dma_start3A_313 = arith.constant 0 : i32
        %dma_start3A_314 = tpu.memref_slice %arg8[%dma_start3A_306, %dma_start3A_313] : memref<2x128xi32, #tpu.memory_space<vmem>> -> memref<1x128xi32, #tpu.memory_space<vmem>>
        %dma_start3A_315 = tpu.memref_squeeze %dma_start3A_314 : memref<1x128xi32, #tpu.memory_space<vmem>> -> memref<128xi32, #tpu.memory_space<vmem>>
        %dma_start3A_316 = arith.constant 0 : i32
        %dma_start3A_317 = tpu.memref_slice %arg4[%add3A, %add3A_305, %dma_start3A_316] : memref<32x80x128xi32, #tpu.memory_space<hbm>> -> memref<1x1x128xi32, #tpu.memory_space<hbm>>
        %dma_start3A_318 = tpu.memref_squeeze %dma_start3A_317 : memref<1x1x128xi32, #tpu.memory_space<hbm>> -> memref<128xi32, #tpu.memory_space<hbm>>
        tpu.enqueue_dma source(%dma_start3A_318 : memref<128xi32, #tpu.memory_space<hbm>>) target(%dma_start3A_315 : memref<128xi32, #tpu.memory_space<vmem>>) target_semaphore(%arg14 : memref<!tpu.dma_semaphore, #tpu.memory_space<semaphore_mem>>)
      } else {
      }
    }
    %while3A_134 = arith.constant 1 : i32
    scf.for %while3A_201 = %while3A_132 to %while3A_128 step %while3A_134  : i32 {
      %mul3A_202 = arith.constant 2 : i32
      %mul3A_203 = arith.muli %while3A_201, %mul3A_202 : i32
      %add3A_204 = arith.constant 0 : i32
      %add3A_205 = arith.addi %mul3A_203, %add3A_204 : i32
      %add3A_206 = arith.constant 2 : i32
      %add3A_207 = arith.addi %add3A_205, %add3A_206 : i32
      %sub3A_208 = arith.constant 1 : i32
      %sub3A_209 = arith.subi %add3A_207, %sub3A_208 : i32
      %lt3A = arith.cmpi slt, %sub3A_209, %select_n3A : i32
      %convert_element_type3A = arith.extui %lt3A : i1 to i32
      %cond3A = arith.constant 0 : i32
      %cond3A_210 = arith.cmpi ne, %convert_element_type3A, %cond3A : i32
      scf.if %cond3A_210 {
        %add3A_289 = arith.constant 2 : i32
        %add3A_290 = arith.addi %add3A_205, %add3A_289 : i32
        %sub3A_291 = arith.constant 1 : i32
        %sub3A_292 = arith.subi %add3A_290, %sub3A_291 : i32
        %dma_wait3A_293 = arith.constant 1 : i32
        %dma_wait3A_294 = arith.constant 0 : i32
        %dma_wait3A_295 = tpu.memref_slice %arg7[%dma_wait3A_293, %dma_wait3A_294] : memref<2x128xi32, #tpu.memory_space<vmem>> -> memref<1x128xi32, #tpu.memory_space<vmem>>
        %dma_wait3A_296 = tpu.memref_squeeze %dma_wait3A_295 : memref<1x128xi32, #tpu.memory_space<vmem>> -> memref<128xi32, #tpu.memory_space<vmem>>
        %dma_wait3A_297 = arith.constant 0 : i32
        %dma_wait3A_298 = tpu.memref_slice %arg3[%add3A, %sub3A_292, %dma_wait3A_297] : memref<32x80x128xi32, #tpu.memory_space<hbm>> -> memref<1x1x128xi32, #tpu.memory_space<hbm>>
        %dma_wait3A_299 = tpu.memref_squeeze %dma_wait3A_298 : memref<1x1x128xi32, #tpu.memory_space<hbm>> -> memref<128xi32, #tpu.memory_space<hbm>>
        %dma_wait3A_300 = arith.constant 0 : i32
        %dma_wait3A_301 = tpu.memref_slice %arg7[%dma_wait3A_293, %dma_wait3A_300] : memref<2x128xi32, #tpu.memory_space<vmem>> -> memref<1x128xi32, #tpu.memory_space<vmem>>
        %dma_wait3A_302 = tpu.memref_squeeze %dma_wait3A_301 : memref<1x128xi32, #tpu.memory_space<vmem>> -> memref<128xi32, #tpu.memory_space<vmem>>
        %dma_wait3A_303 = arith.constant 0 : i32
        %dma_wait3A_304 = tpu.memref_slice %arg3[%add3A, %sub3A_292, %dma_wait3A_303] : memref<32x80x128xi32, #tpu.memory_space<hbm>> -> memref<1x1x128xi32, #tpu.memory_space<hbm>>
        %dma_wait3A_305 = tpu.memref_squeeze %dma_wait3A_304 : memref<1x1x128xi32, #tpu.memory_space<hbm>> -> memref<128xi32, #tpu.memory_space<hbm>>
        tpu.wait_dma2 semaphore(%arg12 : memref<!tpu.dma_semaphore, #tpu.memory_space<semaphore_mem>>) src(%dma_wait3A_305 : memref<128xi32, #tpu.memory_space<hbm>>) dst(%dma_wait3A_302 : memref<128xi32, #tpu.memory_space<vmem>>)
        %dma_start3A_306 = arith.constant 1 : i32
        %dma_start3A_307 = arith.constant 1 : i32
        %dma_start3A_308 = arith.constant 0 : i32
        %dma_start3A_309 = arith.constant 0 : i32
        %dma_start3A_310 = tpu.memref_slice %arg9[%dma_start3A_307, %dma_start3A_308, %dma_start3A_309] : memref<2x128x128xf32, #tpu.memory_space<vmem>> -> memref<1x128x128xf32, #tpu.memory_space<vmem>>
        %dma_start3A_311 = tpu.memref_squeeze %dma_start3A_310 : memref<1x128x128xf32, #tpu.memory_space<vmem>> -> memref<128x128xf32, #tpu.memory_space<vmem>>
        %dma_start3A_312 = arith.constant 0 : i32
        %dma_start3A_313 = tpu.memref_slice %arg7[%dma_start3A_306, %dma_start3A_312] : memref<2x128xi32, #tpu.memory_space<vmem>> -> memref<1x128xi32, #tpu.memory_space<vmem>>
        %dma_start3A_314 = tpu.memref_squeeze %dma_start3A_313 : memref<1x128xi32, #tpu.memory_space<vmem>> -> memref<128xi32, #tpu.memory_space<vmem>>
        %dma_start3A_315 = arith.constant 0 : i32
        %dma_start3A_316 = arith.constant 0 : i32
        %dma_start3A_317 = tpu.memref_slice %arg2[%dma_start3A_315, %dma_start3A_316] : memref<10240x128xf32, #tpu.memory_space<hbm>> -> memref<10240x128xf32, #tpu.memory_space<hbm>>
        tpu.enqueue_indirect_dma source(%dma_start3A_317 : memref<10240x128xf32, #tpu.memory_space<hbm>>) target(%dma_start3A_311 : memref<128x128xf32, #tpu.memory_space<vmem>>) offsets(%dma_start3A_314 : memref<128xi32, #tpu.memory_space<vmem>>) semaphore(%arg16 : memref<!tpu.dma_semaphore, #tpu.memory_space<semaphore_mem>>)
      } else {
      }
      %dma_wait3A_211 = arith.constant 0 : i32
      %dma_wait3A_212 = arith.constant 0 : i32
      %dma_wait3A_213 = arith.constant 0 : i32
      %dma_wait3A_214 = arith.constant 0 : i32
      %dma_wait3A_215 = tpu.memref_slice %arg9[%dma_wait3A_212, %dma_wait3A_213, %dma_wait3A_214] : memref<2x128x128xf32, #tpu.memory_space<vmem>> -> memref<1x128x128xf32, #tpu.memory_space<vmem>>
      %dma_wait3A_216 = tpu.memref_squeeze %dma_wait3A_215 : memref<1x128x128xf32, #tpu.memory_space<vmem>> -> memref<128x128xf32, #tpu.memory_space<vmem>>
      %dma_wait3A_217 = arith.constant 0 : i32
      %dma_wait3A_218 = tpu.memref_slice %arg7[%dma_wait3A_211, %dma_wait3A_217] : memref<2x128xi32, #tpu.memory_space<vmem>> -> memref<1x128xi32, #tpu.memory_space<vmem>>
      %dma_wait3A_219 = tpu.memref_squeeze %dma_wait3A_218 : memref<1x128xi32, #tpu.memory_space<vmem>> -> memref<128xi32, #tpu.memory_space<vmem>>
      %dma_wait3A_220 = arith.constant 0 : i32
      %dma_wait3A_221 = arith.constant 0 : i32
      %dma_wait3A_222 = tpu.memref_slice %arg2[%dma_wait3A_220, %dma_wait3A_221] : memref<10240x128xf32, #tpu.memory_space<hbm>> -> memref<10240x128xf32, #tpu.memory_space<hbm>>
      tpu.wait_indirect_dma semaphore(%arg15 : memref<!tpu.dma_semaphore, #tpu.memory_space<semaphore_mem>>) src(%dma_wait3A_222 : memref<10240x128xf32, #tpu.memory_space<hbm>>) dst(%dma_wait3A_216 : memref<128x128xf32, #tpu.memory_space<vmem>>)
      %dma_wait3A_223 = arith.constant 0 : i32
      %dma_wait3A_224 = arith.constant 0 : i32
      %dma_wait3A_225 = tpu.memref_slice %arg8[%dma_wait3A_223, %dma_wait3A_224] : memref<2x128xi32, #tpu.memory_space<vmem>> -> memref<1x128xi32, #tpu.memory_space<vmem>>
      %dma_wait3A_226 = tpu.memref_squeeze %dma_wait3A_225 : memref<1x128xi32, #tpu.memory_space<vmem>> -> memref<128xi32, #tpu.memory_space<vmem>>
      %dma_wait3A_227 = arith.constant 0 : i32
      %dma_wait3A_228 = tpu.memref_slice %arg4[%add3A, %add3A_205, %dma_wait3A_227] : memref<32x80x128xi32, #tpu.memory_space<hbm>> -> memref<1x1x128xi32, #tpu.memory_space<hbm>>
      %dma_wait3A_229 = tpu.memref_squeeze %dma_wait3A_228 : memref<1x1x128xi32, #tpu.memory_space<hbm>> -> memref<128xi32, #tpu.memory_space<hbm>>
      %dma_wait3A_230 = arith.constant 0 : i32
      %dma_wait3A_231 = tpu.memref_slice %arg8[%dma_wait3A_223, %dma_wait3A_230] : memref<2x128xi32, #tpu.memory_space<vmem>> -> memref<1x128xi32, #tpu.memory_space<vmem>>
      %dma_wait3A_232 = tpu.memref_squeeze %dma_wait3A_231 : memref<1x128xi32, #tpu.memory_space<vmem>> -> memref<128xi32, #tpu.memory_space<vmem>>
      %dma_wait3A_233 = arith.constant 0 : i32
      %dma_wait3A_234 = tpu.memref_slice %arg4[%add3A, %add3A_205, %dma_wait3A_233] : memref<32x80x128xi32, #tpu.memory_space<hbm>> -> memref<1x1x128xi32, #tpu.memory_space<hbm>>
      %dma_wait3A_235 = tpu.memref_squeeze %dma_wait3A_234 : memref<1x1x128xi32, #tpu.memory_space<hbm>> -> memref<128xi32, #tpu.memory_space<hbm>>
      tpu.wait_dma2 semaphore(%arg13 : memref<!tpu.dma_semaphore, #tpu.memory_space<semaphore_mem>>) src(%dma_wait3A_235 : memref<128xi32, #tpu.memory_space<hbm>>) dst(%dma_wait3A_232 : memref<128xi32, #tpu.memory_space<vmem>>)
      %run_scoped3A_236 = arith.constant 0 : i32
      %run_scoped3A_237 = arith.constant 0 : i32
      "tpu.region"() ({
        %run_scoped3A_289 = tpu.sem_alloc : memref<!tpu.dma_semaphore, #tpu.memory_space<semaphore_mem>>
        %dma_start3A_290 = arith.constant 0 : i32
        %dma_start3A_291 = arith.constant 0 : i32
        %dma_start3A_292 = tpu.memref_slice %arg9[%run_scoped3A_236, %dma_start3A_290, %dma_start3A_291] : memref<2x128x128xf32, #tpu.memory_space<vmem>> -> memref<1x128x128xf32, #tpu.memory_space<vmem>>
        %dma_start3A_293 = tpu.memref_squeeze %dma_start3A_292 : memref<1x128x128xf32, #tpu.memory_space<vmem>> -> memref<128x128xf32, #tpu.memory_space<vmem>>
        %dma_start3A_294 = arith.constant 0 : i32
        %dma_start3A_295 = tpu.memref_slice %arg8[%run_scoped3A_237, %dma_start3A_294] : memref<2x128xi32, #tpu.memory_space<vmem>> -> memref<1x128xi32, #tpu.memory_space<vmem>>
        %dma_start3A_296 = tpu.memref_squeeze %dma_start3A_295 : memref<1x128xi32, #tpu.memory_space<vmem>> -> memref<128xi32, #tpu.memory_space<vmem>>
        %dma_start3A_297 = arith.constant 0 : i32
        %dma_start3A_298 = arith.constant 0 : i32
        %dma_start3A_299 = tpu.memref_slice %arg10[%dma_start3A_297, %dma_start3A_298] : memref<10240x128xf32, #tpu.memory_space<vmem_shared>> -> memref<10240x128xf32, #tpu.memory_space<vmem_shared>>
        tpu.enqueue_indirect_dma source(%dma_start3A_293 : memref<128x128xf32, #tpu.memory_space<vmem>>) target(%dma_start3A_299 : memref<10240x128xf32, #tpu.memory_space<vmem_shared>>) offsets(%dma_start3A_296 : memref<128xi32, #tpu.memory_space<vmem>>) semaphore(%run_scoped3A_289 : memref<!tpu.dma_semaphore, #tpu.memory_space<semaphore_mem>>) {add = true}
        %dma_wait3A_300 = arith.constant 0 : i32
        %dma_wait3A_301 = arith.constant 0 : i32
        %dma_wait3A_302 = tpu.memref_slice %arg9[%run_scoped3A_236, %dma_wait3A_300, %dma_wait3A_301] : memref<2x128x128xf32, #tpu.memory_space<vmem>> -> memref<1x128x128xf32, #tpu.memory_space<vmem>>
        %dma_wait3A_303 = tpu.memref_squeeze %dma_wait3A_302 : memref<1x128x128xf32, #tpu.memory_space<vmem>> -> memref<128x128xf32, #tpu.memory_space<vmem>>
        %dma_wait3A_304 = arith.constant 0 : i32
        %dma_wait3A_305 = tpu.memref_slice %arg8[%run_scoped3A_237, %dma_wait3A_304] : memref<2x128xi32, #tpu.memory_space<vmem>> -> memref<1x128xi32, #tpu.memory_space<vmem>>
        %dma_wait3A_306 = tpu.memref_squeeze %dma_wait3A_305 : memref<1x128xi32, #tpu.memory_space<vmem>> -> memref<128xi32, #tpu.memory_space<vmem>>
        %dma_wait3A_307 = arith.constant 0 : i32
        %dma_wait3A_308 = arith.constant 0 : i32
        %dma_wait3A_309 = tpu.memref_slice %arg10[%dma_wait3A_307, %dma_wait3A_308] : memref<10240x128xf32, #tpu.memory_space<vmem_shared>> -> memref<10240x128xf32, #tpu.memory_space<vmem_shared>>
        tpu.wait_indirect_dma semaphore(%run_scoped3A_289 : memref<!tpu.dma_semaphore, #tpu.memory_space<semaphore_mem>>) src(%dma_wait3A_303 : memref<128x128xf32, #tpu.memory_space<vmem>>) dst(%dma_wait3A_309 : memref<10240x128xf32, #tpu.memory_space<vmem_shared>>)
        tpu.yield
      }) : () -> ()
      %add3A_238 = arith.constant 2 : i32
      %add3A_239 = arith.addi %add3A_205, %add3A_238 : i32
      %lt3A_240 = arith.cmpi slt, %add3A_239, %select_n3A : i32
      %convert_element_type3A_241 = arith.extui %lt3A_240 : i1 to i32
      %cond3A_242 = arith.constant 0 : i32
      %cond3A_243 = arith.cmpi ne, %convert_element_type3A_241, %cond3A_242 : i32
      scf.if %cond3A_243 {
        %add3A_289 = arith.constant 2 : i32
        %add3A_290 = arith.addi %add3A_205, %add3A_289 : i32
        %dma_start3A_291 = arith.constant 0 : i32
        %dma_start3A_292 = arith.constant 0 : i32
        %dma_start3A_293 = tpu.memref_slice %arg7[%dma_start3A_291, %dma_start3A_292] : memref<2x128xi32, #tpu.memory_space<vmem>> -> memref<1x128xi32, #tpu.memory_space<vmem>>
        %dma_start3A_294 = tpu.memref_squeeze %dma_start3A_293 : memref<1x128xi32, #tpu.memory_space<vmem>> -> memref<128xi32, #tpu.memory_space<vmem>>
        %dma_start3A_295 = arith.constant 0 : i32
        %dma_start3A_296 = tpu.memref_slice %arg3[%add3A, %add3A_290, %dma_start3A_295] : memref<32x80x128xi32, #tpu.memory_space<hbm>> -> memref<1x1x128xi32, #tpu.memory_space<hbm>>
        %dma_start3A_297 = tpu.memref_squeeze %dma_start3A_296 : memref<1x1x128xi32, #tpu.memory_space<hbm>> -> memref<128xi32, #tpu.memory_space<hbm>>
        %dma_start3A_298 = arith.constant 0 : i32
        %dma_start3A_299 = tpu.memref_slice %arg7[%dma_start3A_291, %dma_start3A_298] : memref<2x128xi32, #tpu.memory_space<vmem>> -> memref<1x128xi32, #tpu.memory_space<vmem>>
        %dma_start3A_300 = tpu.memref_squeeze %dma_start3A_299 : memref<1x128xi32, #tpu.memory_space<vmem>> -> memref<128xi32, #tpu.memory_space<vmem>>
        %dma_start3A_301 = arith.constant 0 : i32
        %dma_start3A_302 = tpu.memref_slice %arg3[%add3A, %add3A_290, %dma_start3A_301] : memref<32x80x128xi32, #tpu.memory_space<hbm>> -> memref<1x1x128xi32, #tpu.memory_space<hbm>>
        %dma_start3A_303 = tpu.memref_squeeze %dma_start3A_302 : memref<1x1x128xi32, #tpu.memory_space<hbm>> -> memref<128xi32, #tpu.memory_space<hbm>>
        tpu.enqueue_dma source(%dma_start3A_303 : memref<128xi32, #tpu.memory_space<hbm>>) target(%dma_start3A_300 : memref<128xi32, #tpu.memory_space<vmem>>) target_semaphore(%arg11 : memref<!tpu.dma_semaphore, #tpu.memory_space<semaphore_mem>>)
        %add3A_304 = arith.constant 2 : i32
        %add3A_305 = arith.addi %add3A_205, %add3A_304 : i32
        %dma_start3A_306 = arith.constant 0 : i32
        %dma_start3A_307 = arith.constant 0 : i32
        %dma_start3A_308 = tpu.memref_slice %arg8[%dma_start3A_306, %dma_start3A_307] : memref<2x128xi32, #tpu.memory_space<vmem>> -> memref<1x128xi32, #tpu.memory_space<vmem>>
        %dma_start3A_309 = tpu.memref_squeeze %dma_start3A_308 : memref<1x128xi32, #tpu.memory_space<vmem>> -> memref<128xi32, #tpu.memory_space<vmem>>
        %dma_start3A_310 = arith.constant 0 : i32
        %dma_start3A_311 = tpu.memref_slice %arg4[%add3A, %add3A_305, %dma_start3A_310] : memref<32x80x128xi32, #tpu.memory_space<hbm>> -> memref<1x1x128xi32, #tpu.memory_space<hbm>>
        %dma_start3A_312 = tpu.memref_squeeze %dma_start3A_311 : memref<1x1x128xi32, #tpu.memory_space<hbm>> -> memref<128xi32, #tpu.memory_space<hbm>>
        %dma_start3A_313 = arith.constant 0 : i32
        %dma_start3A_314 = tpu.memref_slice %arg8[%dma_start3A_306, %dma_start3A_313] : memref<2x128xi32, #tpu.memory_space<vmem>> -> memref<1x128xi32, #tpu.memory_space<vmem>>
        %dma_start3A_315 = tpu.memref_squeeze %dma_start3A_314 : memref<1x128xi32, #tpu.memory_space<vmem>> -> memref<128xi32, #tpu.memory_space<vmem>>
        %dma_start3A_316 = arith.constant 0 : i32
        %dma_start3A_317 = tpu.memref_slice %arg4[%add3A, %add3A_305, %dma_start3A_316] : memref<32x80x128xi32, #tpu.memory_space<hbm>> -> memref<1x1x128xi32, #tpu.memory_space<hbm>>
        %dma_start3A_318 = tpu.memref_squeeze %dma_start3A_317 : memref<1x1x128xi32, #tpu.memory_space<hbm>> -> memref<128xi32, #tpu.memory_space<hbm>>
        tpu.enqueue_dma source(%dma_start3A_318 : memref<128xi32, #tpu.memory_space<hbm>>) target(%dma_start3A_315 : memref<128xi32, #tpu.memory_space<vmem>>) target_semaphore(%arg13 : memref<!tpu.dma_semaphore, #tpu.memory_space<semaphore_mem>>)
      } else {
      }
      %mul3A_244 = arith.constant 2 : i32
      %mul3A_245 = arith.muli %while3A_201, %mul3A_244 : i32
      %add3A_246 = arith.constant 1 : i32
      %add3A_247 = arith.addi %mul3A_245, %add3A_246 : i32
      %add3A_248 = arith.constant 2 : i32
      %add3A_249 = arith.addi %add3A_247, %add3A_248 : i32
      %sub3A_250 = arith.constant 1 : i32
      %sub3A_251 = arith.subi %add3A_249, %sub3A_250 : i32
      %lt3A_252 = arith.cmpi slt, %sub3A_251, %select_n3A : i32
      %convert_element_type3A_253 = arith.extui %lt3A_252 : i1 to i32
      %cond3A_254 = arith.constant 0 : i32
      %cond3A_255 = arith.cmpi ne, %convert_element_type3A_253, %cond3A_254 : i32
      scf.if %cond3A_255 {
        %add3A_289 = arith.constant 2 : i32
        %add3A_290 = arith.addi %add3A_247, %add3A_289 : i32
        %sub3A_291 = arith.constant 1 : i32
        %sub3A_292 = arith.subi %add3A_290, %sub3A_291 : i32
        %dma_wait3A_293 = arith.constant 0 : i32
        %dma_wait3A_294 = arith.constant 0 : i32
        %dma_wait3A_295 = tpu.memref_slice %arg7[%dma_wait3A_293, %dma_wait3A_294] : memref<2x128xi32, #tpu.memory_space<vmem>> -> memref<1x128xi32, #tpu.memory_space<vmem>>
        %dma_wait3A_296 = tpu.memref_squeeze %dma_wait3A_295 : memref<1x128xi32, #tpu.memory_space<vmem>> -> memref<128xi32, #tpu.memory_space<vmem>>
        %dma_wait3A_297 = arith.constant 0 : i32
        %dma_wait3A_298 = tpu.memref_slice %arg3[%add3A, %sub3A_292, %dma_wait3A_297] : memref<32x80x128xi32, #tpu.memory_space<hbm>> -> memref<1x1x128xi32, #tpu.memory_space<hbm>>
        %dma_wait3A_299 = tpu.memref_squeeze %dma_wait3A_298 : memref<1x1x128xi32, #tpu.memory_space<hbm>> -> memref<128xi32, #tpu.memory_space<hbm>>
        %dma_wait3A_300 = arith.constant 0 : i32
        %dma_wait3A_301 = tpu.memref_slice %arg7[%dma_wait3A_293, %dma_wait3A_300] : memref<2x128xi32, #tpu.memory_space<vmem>> -> memref<1x128xi32, #tpu.memory_space<vmem>>
        %dma_wait3A_302 = tpu.memref_squeeze %dma_wait3A_301 : memref<1x128xi32, #tpu.memory_space<vmem>> -> memref<128xi32, #tpu.memory_space<vmem>>
        %dma_wait3A_303 = arith.constant 0 : i32
        %dma_wait3A_304 = tpu.memref_slice %arg3[%add3A, %sub3A_292, %dma_wait3A_303] : memref<32x80x128xi32, #tpu.memory_space<hbm>> -> memref<1x1x128xi32, #tpu.memory_space<hbm>>
        %dma_wait3A_305 = tpu.memref_squeeze %dma_wait3A_304 : memref<1x1x128xi32, #tpu.memory_space<hbm>> -> memref<128xi32, #tpu.memory_space<hbm>>
        tpu.wait_dma2 semaphore(%arg11 : memref<!tpu.dma_semaphore, #tpu.memory_space<semaphore_mem>>) src(%dma_wait3A_305 : memref<128xi32, #tpu.memory_space<hbm>>) dst(%dma_wait3A_302 : memref<128xi32, #tpu.memory_space<vmem>>)
        %dma_start3A_306 = arith.constant 0 : i32
        %dma_start3A_307 = arith.constant 0 : i32
        %dma_start3A_308 = arith.constant 0 : i32
        %dma_start3A_309 = arith.constant 0 : i32
        %dma_start3A_310 = tpu.memref_slice %arg9[%dma_start3A_307, %dma_start3A_308, %dma_start3A_309] : memref<2x128x128xf32, #tpu.memory_space<vmem>> -> memref<1x128x128xf32, #tpu.memory_space<vmem>>
        %dma_start3A_311 = tpu.memref_squeeze %dma_start3A_310 : memref<1x128x128xf32, #tpu.memory_space<vmem>> -> memref<128x128xf32, #tpu.memory_space<vmem>>
        %dma_start3A_312 = arith.constant 0 : i32
        %dma_start3A_313 = tpu.memref_slice %arg7[%dma_start3A_306, %dma_start3A_312] : memref<2x128xi32, #tpu.memory_space<vmem>> -> memref<1x128xi32, #tpu.memory_space<vmem>>
        %dma_start3A_314 = tpu.memref_squeeze %dma_start3A_313 : memref<1x128xi32, #tpu.memory_space<vmem>> -> memref<128xi32, #tpu.memory_space<vmem>>
        %dma_start3A_315 = arith.constant 0 : i32
        %dma_start3A_316 = arith.constant 0 : i32
        %dma_start3A_317 = tpu.memref_slice %arg2[%dma_start3A_315, %dma_start3A_316] : memref<10240x128xf32, #tpu.memory_space<hbm>> -> memref<10240x128xf32, #tpu.memory_space<hbm>>
        tpu.enqueue_indirect_dma source(%dma_start3A_317 : memref<10240x128xf32, #tpu.memory_space<hbm>>) target(%dma_start3A_311 : memref<128x128xf32, #tpu.memory_space<vmem>>) offsets(%dma_start3A_314 : memref<128xi32, #tpu.memory_space<vmem>>) semaphore(%arg15 : memref<!tpu.dma_semaphore, #tpu.memory_space<semaphore_mem>>)
      } else {
      }
      %dma_wait3A_256 = arith.constant 1 : i32
      %dma_wait3A_257 = arith.constant 1 : i32
      %dma_wait3A_258 = arith.constant 0 : i32
      %dma_wait3A_259 = arith.constant 0 : i32
      %dma_wait3A_260 = tpu.memref_slice %arg9[%dma_wait3A_257, %dma_wait3A_258, %dma_wait3A_259] : memref<2x128x128xf32, #tpu.memory_space<vmem>> -> memref<1x128x128xf32, #tpu.memory_space<vmem>>
      %dma_wait3A_261 = tpu.memref_squeeze %dma_wait3A_260 : memref<1x128x128xf32, #tpu.memory_space<vmem>> -> memref<128x128xf32, #tpu.memory_space<vmem>>
      %dma_wait3A_262 = arith.constant 0 : i32
      %dma_wait3A_263 = tpu.memref_slice %arg7[%dma_wait3A_256, %dma_wait3A_262] : memref<2x128xi32, #tpu.memory_space<vmem>> -> memref<1x128xi32, #tpu.memory_space<vmem>>
      %dma_wait3A_264 = tpu.memref_squeeze %dma_wait3A_263 : memref<1x128xi32, #tpu.memory_space<vmem>> -> memref<128xi32, #tpu.memory_space<vmem>>
      %dma_wait3A_265 = arith.constant 0 : i32
      %dma_wait3A_266 = arith.constant 0 : i32
      %dma_wait3A_267 = tpu.memref_slice %arg2[%dma_wait3A_265, %dma_wait3A_266] : memref<10240x128xf32, #tpu.memory_space<hbm>> -> memref<10240x128xf32, #tpu.memory_space<hbm>>
      tpu.wait_indirect_dma semaphore(%arg16 : memref<!tpu.dma_semaphore, #tpu.memory_space<semaphore_mem>>) src(%dma_wait3A_267 : memref<10240x128xf32, #tpu.memory_space<hbm>>) dst(%dma_wait3A_261 : memref<128x128xf32, #tpu.memory_space<vmem>>)
      %dma_wait3A_268 = arith.constant 1 : i32
      %dma_wait3A_269 = arith.constant 0 : i32
      %dma_wait3A_270 = tpu.memref_slice %arg8[%dma_wait3A_268, %dma_wait3A_269] : memref<2x128xi32, #tpu.memory_space<vmem>> -> memref<1x128xi32, #tpu.memory_space<vmem>>
      %dma_wait3A_271 = tpu.memref_squeeze %dma_wait3A_270 : memref<1x128xi32, #tpu.memory_space<vmem>> -> memref<128xi32, #tpu.memory_space<vmem>>
      %dma_wait3A_272 = arith.constant 0 : i32
      %dma_wait3A_273 = tpu.memref_slice %arg4[%add3A, %add3A_247, %dma_wait3A_272] : memref<32x80x128xi32, #tpu.memory_space<hbm>> -> memref<1x1x128xi32, #tpu.memory_space<hbm>>
      %dma_wait3A_274 = tpu.memref_squeeze %dma_wait3A_273 : memref<1x1x128xi32, #tpu.memory_space<hbm>> -> memref<128xi32, #tpu.memory_space<hbm>>
      %dma_wait3A_275 = arith.constant 0 : i32
      %dma_wait3A_276 = tpu.memref_slice %arg8[%dma_wait3A_268, %dma_wait3A_275] : memref<2x128xi32, #tpu.memory_space<vmem>> -> memref<1x128xi32, #tpu.memory_space<vmem>>
      %dma_wait3A_277 = tpu.memref_squeeze %dma_wait3A_276 : memref<1x128xi32, #tpu.memory_space<vmem>> -> memref<128xi32, #tpu.memory_space<vmem>>
      %dma_wait3A_278 = arith.constant 0 : i32
      %dma_wait3A_279 = tpu.memref_slice %arg4[%add3A, %add3A_247, %dma_wait3A_278] : memref<32x80x128xi32, #tpu.memory_space<hbm>> -> memref<1x1x128xi32, #tpu.memory_space<hbm>>
      %dma_wait3A_280 = tpu.memref_squeeze %dma_wait3A_279 : memref<1x1x128xi32, #tpu.memory_space<hbm>> -> memref<128xi32, #tpu.memory_space<hbm>>
      tpu.wait_dma2 semaphore(%arg14 : memref<!tpu.dma_semaphore, #tpu.memory_space<semaphore_mem>>) src(%dma_wait3A_280 : memref<128xi32, #tpu.memory_space<hbm>>) dst(%dma_wait3A_277 : memref<128xi32, #tpu.memory_space<vmem>>)
      %run_scoped3A_281 = arith.constant 1 : i32
      %run_scoped3A_282 = arith.constant 1 : i32
      "tpu.region"() ({
        %run_scoped3A_289 = tpu.sem_alloc : memref<!tpu.dma_semaphore, #tpu.memory_space<semaphore_mem>>
        %dma_start3A_290 = arith.constant 0 : i32
        %dma_start3A_291 = arith.constant 0 : i32
        %dma_start3A_292 = tpu.memref_slice %arg9[%run_scoped3A_281, %dma_start3A_290, %dma_start3A_291] : memref<2x128x128xf32, #tpu.memory_space<vmem>> -> memref<1x128x128xf32, #tpu.memory_space<vmem>>
        %dma_start3A_293 = tpu.memref_squeeze %dma_start3A_292 : memref<1x128x128xf32, #tpu.memory_space<vmem>> -> memref<128x128xf32, #tpu.memory_space<vmem>>
        %dma_start3A_294 = arith.constant 0 : i32
        %dma_start3A_295 = tpu.memref_slice %arg8[%run_scoped3A_282, %dma_start3A_294] : memref<2x128xi32, #tpu.memory_space<vmem>> -> memref<1x128xi32, #tpu.memory_space<vmem>>
        %dma_start3A_296 = tpu.memref_squeeze %dma_start3A_295 : memref<1x128xi32, #tpu.memory_space<vmem>> -> memref<128xi32, #tpu.memory_space<vmem>>
        %dma_start3A_297 = arith.constant 0 : i32
        %dma_start3A_298 = arith.constant 0 : i32
        %dma_start3A_299 = tpu.memref_slice %arg10[%dma_start3A_297, %dma_start3A_298] : memref<10240x128xf32, #tpu.memory_space<vmem_shared>> -> memref<10240x128xf32, #tpu.memory_space<vmem_shared>>
        tpu.enqueue_indirect_dma source(%dma_start3A_293 : memref<128x128xf32, #tpu.memory_space<vmem>>) target(%dma_start3A_299 : memref<10240x128xf32, #tpu.memory_space<vmem_shared>>) offsets(%dma_start3A_296 : memref<128xi32, #tpu.memory_space<vmem>>) semaphore(%run_scoped3A_289 : memref<!tpu.dma_semaphore, #tpu.memory_space<semaphore_mem>>) {add = true}
        %dma_wait3A_300 = arith.constant 0 : i32
        %dma_wait3A_301 = arith.constant 0 : i32
        %dma_wait3A_302 = tpu.memref_slice %arg9[%run_scoped3A_281, %dma_wait3A_300, %dma_wait3A_301] : memref<2x128x128xf32, #tpu.memory_space<vmem>> -> memref<1x128x128xf32, #tpu.memory_space<vmem>>
        %dma_wait3A_303 = tpu.memref_squeeze %dma_wait3A_302 : memref<1x128x128xf32, #tpu.memory_space<vmem>> -> memref<128x128xf32, #tpu.memory_space<vmem>>
        %dma_wait3A_304 = arith.constant 0 : i32
        %dma_wait3A_305 = tpu.memref_slice %arg8[%run_scoped3A_282, %dma_wait3A_304] : memref<2x128xi32, #tpu.memory_space<vmem>> -> memref<1x128xi32, #tpu.memory_space<vmem>>
        %dma_wait3A_306 = tpu.memref_squeeze %dma_wait3A_305 : memref<1x128xi32, #tpu.memory_space<vmem>> -> memref<128xi32, #tpu.memory_space<vmem>>
        %dma_wait3A_307 = arith.constant 0 : i32
        %dma_wait3A_308 = arith.constant 0 : i32
        %dma_wait3A_309 = tpu.memref_slice %arg10[%dma_wait3A_307, %dma_wait3A_308] : memref<10240x128xf32, #tpu.memory_space<vmem_shared>> -> memref<10240x128xf32, #tpu.memory_space<vmem_shared>>
        tpu.wait_indirect_dma semaphore(%run_scoped3A_289 : memref<!tpu.dma_semaphore, #tpu.memory_space<semaphore_mem>>) src(%dma_wait3A_303 : memref<128x128xf32, #tpu.memory_space<vmem>>) dst(%dma_wait3A_309 : memref<10240x128xf32, #tpu.memory_space<vmem_shared>>)
        tpu.yield
      }) : () -> ()
      %add3A_283 = arith.constant 2 : i32
      %add3A_284 = arith.addi %add3A_247, %add3A_283 : i32
      %lt3A_285 = arith.cmpi slt, %add3A_284, %select_n3A : i32
      %convert_element_type3A_286 = arith.extui %lt3A_285 : i1 to i32
      %cond3A_287 = arith.constant 0 : i32
      %cond3A_288 = arith.cmpi ne, %convert_element_type3A_286, %cond3A_287 : i32
      scf.if %cond3A_288 {
        %add3A_289 = arith.constant 2 : i32
        %add3A_290 = arith.addi %add3A_247, %add3A_289 : i32
        %dma_start3A_291 = arith.constant 1 : i32
        %dma_start3A_292 = arith.constant 0 : i32
        %dma_start3A_293 = tpu.memref_slice %arg7[%dma_start3A_291, %dma_start3A_292] : memref<2x128xi32, #tpu.memory_space<vmem>> -> memref<1x128xi32, #tpu.memory_space<vmem>>
        %dma_start3A_294 = tpu.memref_squeeze %dma_start3A_293 : memref<1x128xi32, #tpu.memory_space<vmem>> -> memref<128xi32, #tpu.memory_space<vmem>>
        %dma_start3A_295 = arith.constant 0 : i32
        %dma_start3A_296 = tpu.memref_slice %arg3[%add3A, %add3A_290, %dma_start3A_295] : memref<32x80x128xi32, #tpu.memory_space<hbm>> -> memref<1x1x128xi32, #tpu.memory_space<hbm>>
        %dma_start3A_297 = tpu.memref_squeeze %dma_start3A_296 : memref<1x1x128xi32, #tpu.memory_space<hbm>> -> memref<128xi32, #tpu.memory_space<hbm>>
        %dma_start3A_298 = arith.constant 0 : i32
        %dma_start3A_299 = tpu.memref_slice %arg7[%dma_start3A_291, %dma_start3A_298] : memref<2x128xi32, #tpu.memory_space<vmem>> -> memref<1x128xi32, #tpu.memory_space<vmem>>
        %dma_start3A_300 = tpu.memref_squeeze %dma_start3A_299 : memref<1x128xi32, #tpu.memory_space<vmem>> -> memref<128xi32, #tpu.memory_space<vmem>>
        %dma_start3A_301 = arith.constant 0 : i32
        %dma_start3A_302 = tpu.memref_slice %arg3[%add3A, %add3A_290, %dma_start3A_301] : memref<32x80x128xi32, #tpu.memory_space<hbm>> -> memref<1x1x128xi32, #tpu.memory_space<hbm>>
        %dma_start3A_303 = tpu.memref_squeeze %dma_start3A_302 : memref<1x1x128xi32, #tpu.memory_space<hbm>> -> memref<128xi32, #tpu.memory_space<hbm>>
        tpu.enqueue_dma source(%dma_start3A_303 : memref<128xi32, #tpu.memory_space<hbm>>) target(%dma_start3A_300 : memref<128xi32, #tpu.memory_space<vmem>>) target_semaphore(%arg12 : memref<!tpu.dma_semaphore, #tpu.memory_space<semaphore_mem>>)
        %add3A_304 = arith.constant 2 : i32
        %add3A_305 = arith.addi %add3A_247, %add3A_304 : i32
        %dma_start3A_306 = arith.constant 1 : i32
        %dma_start3A_307 = arith.constant 0 : i32
        %dma_start3A_308 = tpu.memref_slice %arg8[%dma_start3A_306, %dma_start3A_307] : memref<2x128xi32, #tpu.memory_space<vmem>> -> memref<1x128xi32, #tpu.memory_space<vmem>>
        %dma_start3A_309 = tpu.memref_squeeze %dma_start3A_308 : memref<1x128xi32, #tpu.memory_space<vmem>> -> memref<128xi32, #tpu.memory_space<vmem>>
        %dma_start3A_310 = arith.constant 0 : i32
        %dma_start3A_311 = tpu.memref_slice %arg4[%add3A, %add3A_305, %dma_start3A_310] : memref<32x80x128xi32, #tpu.memory_space<hbm>> -> memref<1x1x128xi32, #tpu.memory_space<hbm>>
        %dma_start3A_312 = tpu.memref_squeeze %dma_start3A_311 : memref<1x1x128xi32, #tpu.memory_space<hbm>> -> memref<128xi32, #tpu.memory_space<hbm>>
        %dma_start3A_313 = arith.constant 0 : i32
        %dma_start3A_314 = tpu.memref_slice %arg8[%dma_start3A_306, %dma_start3A_313] : memref<2x128xi32, #tpu.memory_space<vmem>> -> memref<1x128xi32, #tpu.memory_space<vmem>>
        %dma_start3A_315 = tpu.memref_squeeze %dma_start3A_314 : memref<1x128xi32, #tpu.memory_space<vmem>> -> memref<128xi32, #tpu.memory_space<vmem>>
        %dma_start3A_316 = arith.constant 0 : i32
        %dma_start3A_317 = tpu.memref_slice %arg4[%add3A, %add3A_305, %dma_start3A_316] : memref<32x80x128xi32, #tpu.memory_space<hbm>> -> memref<1x1x128xi32, #tpu.memory_space<hbm>>
        %dma_start3A_318 = tpu.memref_squeeze %dma_start3A_317 : memref<1x1x128xi32, #tpu.memory_space<hbm>> -> memref<128xi32, #tpu.memory_space<hbm>>
        tpu.enqueue_dma source(%dma_start3A_318 : memref<128xi32, #tpu.memory_space<hbm>>) target(%dma_start3A_315 : memref<128xi32, #tpu.memory_space<vmem>>) target_semaphore(%arg14 : memref<!tpu.dma_semaphore, #tpu.memory_space<semaphore_mem>>)
      } else {
      }
    }
    %barrier3A_135 = arith.constant 0 : index
    tpu.barrier barrier_id(%barrier3A_135)
    %mul3A_136 = arith.constant 640 : i32
    %mul3A_137 = arith.muli %arg1, %mul3A_136 : i32
    %add3A_138 = arith.constant 0 : i32
    %add3A_139 = arith.addi %mul3A_137, %add3A_138 : i32
    %run_scoped3A_140 = arith.constant 0 : i32
    "tpu.region"() ({
      %run_scoped3A_201 = tpu.sem_alloc : memref<!tpu.dma_semaphore, #tpu.memory_space<semaphore_mem>>
      %dma_start3A_202 = arith.constant 0 : i32
      %dma_start3A_203 = arith.constant 0 : i32
      %dma_start3A_204 = tpu.memref_slice %arg9[%run_scoped3A_140, %dma_start3A_202, %dma_start3A_203] : memref<2x128x128xf32, #tpu.memory_space<vmem>> -> memref<1x128x128xf32, #tpu.memory_space<vmem>>
      %dma_start3A_205 = tpu.memref_squeeze %dma_start3A_204 : memref<1x128x128xf32, #tpu.memory_space<vmem>> -> memref<128x128xf32, #tpu.memory_space<vmem>>
      %dma_start3A_206 = arith.constant 0 : i32
      %dma_start3A_207 = tpu.memref_slice %arg10[%add3A_139, %dma_start3A_206] : memref<10240x128xf32, #tpu.memory_space<vmem_shared>> -> memref<128x128xf32, #tpu.memory_space<vmem_shared>>
      %dma_start3A_208 = arith.constant 0 : i32
      %dma_start3A_209 = arith.constant 0 : i32
      %dma_start3A_210 = tpu.memref_slice %arg9[%run_scoped3A_140, %dma_start3A_208, %dma_start3A_209] : memref<2x128x128xf32, #tpu.memory_space<vmem>> -> memref<1x128x128xf32, #tpu.memory_space<vmem>>
      %dma_start3A_211 = tpu.memref_squeeze %dma_start3A_210 : memref<1x128x128xf32, #tpu.memory_space<vmem>> -> memref<128x128xf32, #tpu.memory_space<vmem>>
      %dma_start3A_212 = arith.constant 0 : i32
      %dma_start3A_213 = tpu.memref_slice %arg10[%add3A_139, %dma_start3A_212] : memref<10240x128xf32, #tpu.memory_space<vmem_shared>> -> memref<128x128xf32, #tpu.memory_space<vmem_shared>>
      tpu.enqueue_dma source(%dma_start3A_213 : memref<128x128xf32, #tpu.memory_space<vmem_shared>>) target(%dma_start3A_211 : memref<128x128xf32, #tpu.memory_space<vmem>>) target_semaphore(%run_scoped3A_201 : memref<!tpu.dma_semaphore, #tpu.memory_space<semaphore_mem>>)
      %dma_wait3A_214 = arith.constant 0 : i32
      %dma_wait3A_215 = arith.constant 0 : i32
      %dma_wait3A_216 = tpu.memref_slice %arg9[%run_scoped3A_140, %dma_wait3A_214, %dma_wait3A_215] : memref<2x128x128xf32, #tpu.memory_space<vmem>> -> memref<1x128x128xf32, #tpu.memory_space<vmem>>
      %dma_wait3A_217 = tpu.memref_squeeze %dma_wait3A_216 : memref<1x128x128xf32, #tpu.memory_space<vmem>> -> memref<128x128xf32, #tpu.memory_space<vmem>>
      %dma_wait3A_218 = arith.constant 0 : i32
      %dma_wait3A_219 = tpu.memref_slice %arg10[%add3A_139, %dma_wait3A_218] : memref<10240x128xf32, #tpu.memory_space<vmem_shared>> -> memref<128x128xf32, #tpu.memory_space<vmem_shared>>
      %dma_wait3A_220 = arith.constant 0 : i32
      %dma_wait3A_221 = arith.constant 0 : i32
      %dma_wait3A_222 = tpu.memref_slice %arg9[%run_scoped3A_140, %dma_wait3A_220, %dma_wait3A_221] : memref<2x128x128xf32, #tpu.memory_space<vmem>> -> memref<1x128x128xf32, #tpu.memory_space<vmem>>
      %dma_wait3A_223 = tpu.memref_squeeze %dma_wait3A_222 : memref<1x128x128xf32, #tpu.memory_space<vmem>> -> memref<128x128xf32, #tpu.memory_space<vmem>>
      %dma_wait3A_224 = arith.constant 0 : i32
      %dma_wait3A_225 = tpu.memref_slice %arg10[%add3A_139, %dma_wait3A_224] : memref<10240x128xf32, #tpu.memory_space<vmem_shared>> -> memref<128x128xf32, #tpu.memory_space<vmem_shared>>
      tpu.wait_dma2 semaphore(%run_scoped3A_201 : memref<!tpu.dma_semaphore, #tpu.memory_space<semaphore_mem>>) src(%dma_wait3A_225 : memref<128x128xf32, #tpu.memory_space<vmem_shared>>) dst(%dma_wait3A_223 : memref<128x128xf32, #tpu.memory_space<vmem>>)
      tpu.yield
    }) : () -> ()
    %mul3A_141 = arith.constant 10240 : i32
    %mul3A_142 = arith.muli %arg0, %mul3A_141 : i32
    %mul3A_143 = arith.constant 640 : i32
    %mul3A_144 = arith.muli %arg1, %mul3A_143 : i32
    %add3A_145 = arith.addi %mul3A_142, %mul3A_144 : i32
    %add3A_146 = arith.constant 0 : i32
    %add3A_147 = arith.addi %add3A_145, %add3A_146 : i32
    %run_scoped3A_148 = arith.constant 0 : i32
    "tpu.region"() ({
      %run_scoped3A_201 = tpu.sem_alloc : memref<!tpu.dma_semaphore, #tpu.memory_space<semaphore_mem>>
      %dma_start3A_202 = arith.constant 0 : i32
      %dma_start3A_203 = arith.constant 0 : i32
      %dma_start3A_204 = tpu.memref_slice %arg9[%run_scoped3A_148, %dma_start3A_202, %dma_start3A_203] : memref<2x128x128xf32, #tpu.memory_space<vmem>> -> memref<1x128x128xf32, #tpu.memory_space<vmem>>
      %dma_start3A_205 = tpu.memref_squeeze %dma_start3A_204 : memref<1x128x128xf32, #tpu.memory_space<vmem>> -> memref<128x128xf32, #tpu.memory_space<vmem>>
      %dma_start3A_206 = arith.constant 0 : i32
      %dma_start3A_207 = tpu.memref_slice %arg6[%add3A_147, %dma_start3A_206] : memref<20480x128xf32, #tpu.memory_space<hbm>> -> memref<128x128xf32, #tpu.memory_space<hbm>>
      %dma_start3A_208 = arith.constant 0 : i32
      %dma_start3A_209 = tpu.memref_slice %arg6[%add3A_147, %dma_start3A_208] : memref<20480x128xf32, #tpu.memory_space<hbm>> -> memref<128x128xf32, #tpu.memory_space<hbm>>
      %dma_start3A_210 = arith.constant 0 : i32
      %dma_start3A_211 = arith.constant 0 : i32
      %dma_start3A_212 = tpu.memref_slice %arg9[%run_scoped3A_148, %dma_start3A_210, %dma_start3A_211] : memref<2x128x128xf32, #tpu.memory_space<vmem>> -> memref<1x128x128xf32, #tpu.memory_space<vmem>>
      %dma_start3A_213 = tpu.memref_squeeze %dma_start3A_212 : memref<1x128x128xf32, #tpu.memory_space<vmem>> -> memref<128x128xf32, #tpu.memory_space<vmem>>
      tpu.enqueue_dma source(%dma_start3A_213 : memref<128x128xf32, #tpu.memory_space<vmem>>) target(%dma_start3A_209 : memref<128x128xf32, #tpu.memory_space<hbm>>) target_semaphore(%run_scoped3A_201 : memref<!tpu.dma_semaphore, #tpu.memory_space<semaphore_mem>>)
      %dma_wait3A_214 = arith.constant 0 : i32
      %dma_wait3A_215 = arith.constant 0 : i32
      %dma_wait3A_216 = tpu.memref_slice %arg9[%run_scoped3A_148, %dma_wait3A_214, %dma_wait3A_215] : memref<2x128x128xf32, #tpu.memory_space<vmem>> -> memref<1x128x128xf32, #tpu.memory_space<vmem>>
      %dma_wait3A_217 = tpu.memref_squeeze %dma_wait3A_216 : memref<1x128x128xf32, #tpu.memory_space<vmem>> -> memref<128x128xf32, #tpu.memory_space<vmem>>
      %dma_wait3A_218 = arith.constant 0 : i32
      %dma_wait3A_219 = tpu.memref_slice %arg6[%add3A_147, %dma_wait3A_218] : memref<20480x128xf32, #tpu.memory_space<hbm>> -> memref<128x128xf32, #tpu.memory_space<hbm>>
      %dma_wait3A_220 = arith.constant 0 : i32
      %dma_wait3A_221 = tpu.memref_slice %arg6[%add3A_147, %dma_wait3A_220] : memref<20480x128xf32, #tpu.memory_space<hbm>> -> memref<128x128xf32, #tpu.memory_space<hbm>>
      %dma_wait3A_222 = arith.constant 0 : i32
      %dma_wait3A_223 = arith.constant 0 : i32
      %dma_wait3A_224 = tpu.memref_slice %arg9[%run_scoped3A_148, %dma_wait3A_222, %dma_wait3A_223] : memref<2x128x128xf32, #tpu.memory_space<vmem>> -> memref<1x128x128xf32, #tpu.memory_space<vmem>>
      %dma_wait3A_225 = tpu.memref_squeeze %dma_wait3A_224 : memref<1x128x128xf32, #tpu.memory_space<vmem>> -> memref<128x128xf32, #tpu.memory_space<vmem>>
      tpu.wait_dma2 semaphore(%run_scoped3A_201 : memref<!tpu.dma_semaphore, #tpu.memory_space<semaphore_mem>>) src(%dma_wait3A_225 : memref<128x128xf32, #tpu.memory_space<vmem>>) dst(%dma_wait3A_221 : memref<128x128xf32, #tpu.memory_space<hbm>>)
      tpu.yield
    }) : () -> ()
    %mul3A_149 = arith.constant 640 : i32
    %mul3A_150 = arith.muli %arg1, %mul3A_149 : i32
    %add3A_151 = arith.constant 128 : i32
    %add3A_152 = arith.addi %mul3A_150, %add3A_151 : i32
    %run_scoped3A_153 = arith.constant 1 : i32
    "tpu.region"() ({
      %run_scoped3A_201 = tpu.sem_alloc : memref<!tpu.dma_semaphore, #tpu.memory_space<semaphore_mem>>
      %dma_start3A_202 = arith.constant 0 : i32
      %dma_start3A_203 = arith.constant 0 : i32
      %dma_start3A_204 = tpu.memref_slice %arg9[%run_scoped3A_153, %dma_start3A_202, %dma_start3A_203] : memref<2x128x128xf32, #tpu.memory_space<vmem>> -> memref<1x128x128xf32, #tpu.memory_space<vmem>>
      %dma_start3A_205 = tpu.memref_squeeze %dma_start3A_204 : memref<1x128x128xf32, #tpu.memory_space<vmem>> -> memref<128x128xf32, #tpu.memory_space<vmem>>
      %dma_start3A_206 = arith.constant 0 : i32
      %dma_start3A_207 = tpu.memref_slice %arg10[%add3A_152, %dma_start3A_206] : memref<10240x128xf32, #tpu.memory_space<vmem_shared>> -> memref<128x128xf32, #tpu.memory_space<vmem_shared>>
      %dma_start3A_208 = arith.constant 0 : i32
      %dma_start3A_209 = arith.constant 0 : i32
      %dma_start3A_210 = tpu.memref_slice %arg9[%run_scoped3A_153, %dma_start3A_208, %dma_start3A_209] : memref<2x128x128xf32, #tpu.memory_space<vmem>> -> memref<1x128x128xf32, #tpu.memory_space<vmem>>
      %dma_start3A_211 = tpu.memref_squeeze %dma_start3A_210 : memref<1x128x128xf32, #tpu.memory_space<vmem>> -> memref<128x128xf32, #tpu.memory_space<vmem>>
      %dma_start3A_212 = arith.constant 0 : i32
      %dma_start3A_213 = tpu.memref_slice %arg10[%add3A_152, %dma_start3A_212] : memref<10240x128xf32, #tpu.memory_space<vmem_shared>> -> memref<128x128xf32, #tpu.memory_space<vmem_shared>>
      tpu.enqueue_dma source(%dma_start3A_213 : memref<128x128xf32, #tpu.memory_space<vmem_shared>>) target(%dma_start3A_211 : memref<128x128xf32, #tpu.memory_space<vmem>>) target_semaphore(%run_scoped3A_201 : memref<!tpu.dma_semaphore, #tpu.memory_space<semaphore_mem>>)
      %dma_wait3A_214 = arith.constant 0 : i32
      %dma_wait3A_215 = arith.constant 0 : i32
      %dma_wait3A_216 = tpu.memref_slice %arg9[%run_scoped3A_153, %dma_wait3A_214, %dma_wait3A_215] : memref<2x128x128xf32, #tpu.memory_space<vmem>> -> memref<1x128x128xf32, #tpu.memory_space<vmem>>
      %dma_wait3A_217 = tpu.memref_squeeze %dma_wait3A_216 : memref<1x128x128xf32, #tpu.memory_space<vmem>> -> memref<128x128xf32, #tpu.memory_space<vmem>>
      %dma_wait3A_218 = arith.constant 0 : i32
      %dma_wait3A_219 = tpu.memref_slice %arg10[%add3A_152, %dma_wait3A_218] : memref<10240x128xf32, #tpu.memory_space<vmem_shared>> -> memref<128x128xf32, #tpu.memory_space<vmem_shared>>
      %dma_wait3A_220 = arith.constant 0 : i32
      %dma_wait3A_221 = arith.constant 0 : i32
      %dma_wait3A_222 = tpu.memref_slice %arg9[%run_scoped3A_153, %dma_wait3A_220, %dma_wait3A_221] : memref<2x128x128xf32, #tpu.memory_space<vmem>> -> memref<1x128x128xf32, #tpu.memory_space<vmem>>
      %dma_wait3A_223 = tpu.memref_squeeze %dma_wait3A_222 : memref<1x128x128xf32, #tpu.memory_space<vmem>> -> memref<128x128xf32, #tpu.memory_space<vmem>>
      %dma_wait3A_224 = arith.constant 0 : i32
      %dma_wait3A_225 = tpu.memref_slice %arg10[%add3A_152, %dma_wait3A_224] : memref<10240x128xf32, #tpu.memory_space<vmem_shared>> -> memref<128x128xf32, #tpu.memory_space<vmem_shared>>
      tpu.wait_dma2 semaphore(%run_scoped3A_201 : memref<!tpu.dma_semaphore, #tpu.memory_space<semaphore_mem>>) src(%dma_wait3A_225 : memref<128x128xf32, #tpu.memory_space<vmem_shared>>) dst(%dma_wait3A_223 : memref<128x128xf32, #tpu.memory_space<vmem>>)
      tpu.yield
    }) : () -> ()
    %mul3A_154 = arith.constant 10240 : i32
    %mul3A_155 = arith.muli %arg0, %mul3A_154 : i32
    %mul3A_156 = arith.constant 640 : i32
    %mul3A_157 = arith.muli %arg1, %mul3A_156 : i32
    %add3A_158 = arith.addi %mul3A_155, %mul3A_157 : i32
    %add3A_159 = arith.constant 128 : i32
    %add3A_160 = arith.addi %add3A_158, %add3A_159 : i32
    %run_scoped3A_161 = arith.constant 1 : i32
    "tpu.region"() ({
      %run_scoped3A_201 = tpu.sem_alloc : memref<!tpu.dma_semaphore, #tpu.memory_space<semaphore_mem>>
      %dma_start3A_202 = arith.constant 0 : i32
      %dma_start3A_203 = arith.constant 0 : i32
      %dma_start3A_204 = tpu.memref_slice %arg9[%run_scoped3A_161, %dma_start3A_202, %dma_start3A_203] : memref<2x128x128xf32, #tpu.memory_space<vmem>> -> memref<1x128x128xf32, #tpu.memory_space<vmem>>
      %dma_start3A_205 = tpu.memref_squeeze %dma_start3A_204 : memref<1x128x128xf32, #tpu.memory_space<vmem>> -> memref<128x128xf32, #tpu.memory_space<vmem>>
      %dma_start3A_206 = arith.constant 0 : i32
      %dma_start3A_207 = tpu.memref_slice %arg6[%add3A_160, %dma_start3A_206] : memref<20480x128xf32, #tpu.memory_space<hbm>> -> memref<128x128xf32, #tpu.memory_space<hbm>>
      %dma_start3A_208 = arith.constant 0 : i32
      %dma_start3A_209 = tpu.memref_slice %arg6[%add3A_160, %dma_start3A_208] : memref<20480x128xf32, #tpu.memory_space<hbm>> -> memref<128x128xf32, #tpu.memory_space<hbm>>
      %dma_start3A_210 = arith.constant 0 : i32
      %dma_start3A_211 = arith.constant 0 : i32
      %dma_start3A_212 = tpu.memref_slice %arg9[%run_scoped3A_161, %dma_start3A_210, %dma_start3A_211] : memref<2x128x128xf32, #tpu.memory_space<vmem>> -> memref<1x128x128xf32, #tpu.memory_space<vmem>>
      %dma_start3A_213 = tpu.memref_squeeze %dma_start3A_212 : memref<1x128x128xf32, #tpu.memory_space<vmem>> -> memref<128x128xf32, #tpu.memory_space<vmem>>
      tpu.enqueue_dma source(%dma_start3A_213 : memref<128x128xf32, #tpu.memory_space<vmem>>) target(%dma_start3A_209 : memref<128x128xf32, #tpu.memory_space<hbm>>) target_semaphore(%run_scoped3A_201 : memref<!tpu.dma_semaphore, #tpu.memory_space<semaphore_mem>>)
      %dma_wait3A_214 = arith.constant 0 : i32
      %dma_wait3A_215 = arith.constant 0 : i32
      %dma_wait3A_216 = tpu.memref_slice %arg9[%run_scoped3A_161, %dma_wait3A_214, %dma_wait3A_215] : memref<2x128x128xf32, #tpu.memory_space<vmem>> -> memref<1x128x128xf32, #tpu.memory_space<vmem>>
      %dma_wait3A_217 = tpu.memref_squeeze %dma_wait3A_216 : memref<1x128x128xf32, #tpu.memory_space<vmem>> -> memref<128x128xf32, #tpu.memory_space<vmem>>
      %dma_wait3A_218 = arith.constant 0 : i32
      %dma_wait3A_219 = tpu.memref_slice %arg6[%add3A_160, %dma_wait3A_218] : memref<20480x128xf32, #tpu.memory_space<hbm>> -> memref<128x128xf32, #tpu.memory_space<hbm>>
      %dma_wait3A_220 = arith.constant 0 : i32
      %dma_wait3A_221 = tpu.memref_slice %arg6[%add3A_160, %dma_wait3A_220] : memref<20480x128xf32, #tpu.memory_space<hbm>> -> memref<128x128xf32, #tpu.memory_space<hbm>>
      %dma_wait3A_222 = arith.constant 0 : i32
      %dma_wait3A_223 = arith.constant 0 : i32
      %dma_wait3A_224 = tpu.memref_slice %arg9[%run_scoped3A_161, %dma_wait3A_222, %dma_wait3A_223] : memref<2x128x128xf32, #tpu.memory_space<vmem>> -> memref<1x128x128xf32, #tpu.memory_space<vmem>>
      %dma_wait3A_225 = tpu.memref_squeeze %dma_wait3A_224 : memref<1x128x128xf32, #tpu.memory_space<vmem>> -> memref<128x128xf32, #tpu.memory_space<vmem>>
      tpu.wait_dma2 semaphore(%run_scoped3A_201 : memref<!tpu.dma_semaphore, #tpu.memory_space<semaphore_mem>>) src(%dma_wait3A_225 : memref<128x128xf32, #tpu.memory_space<vmem>>) dst(%dma_wait3A_221 : memref<128x128xf32, #tpu.memory_space<hbm>>)
      tpu.yield
    }) : () -> ()
    %mul3A_162 = arith.constant 640 : i32
    %mul3A_163 = arith.muli %arg1, %mul3A_162 : i32
    %add3A_164 = arith.constant 256 : i32
    %add3A_165 = arith.addi %mul3A_163, %add3A_164 : i32
    %run_scoped3A_166 = arith.constant 0 : i32
    "tpu.region"() ({
      %run_scoped3A_201 = tpu.sem_alloc : memref<!tpu.dma_semaphore, #tpu.memory_space<semaphore_mem>>
      %dma_start3A_202 = arith.constant 0 : i32
      %dma_start3A_203 = arith.constant 0 : i32
      %dma_start3A_204 = tpu.memref_slice %arg9[%run_scoped3A_166, %dma_start3A_202, %dma_start3A_203] : memref<2x128x128xf32, #tpu.memory_space<vmem>> -> memref<1x128x128xf32, #tpu.memory_space<vmem>>
      %dma_start3A_205 = tpu.memref_squeeze %dma_start3A_204 : memref<1x128x128xf32, #tpu.memory_space<vmem>> -> memref<128x128xf32, #tpu.memory_space<vmem>>
      %dma_start3A_206 = arith.constant 0 : i32
      %dma_start3A_207 = tpu.memref_slice %arg10[%add3A_165, %dma_start3A_206] : memref<10240x128xf32, #tpu.memory_space<vmem_shared>> -> memref<128x128xf32, #tpu.memory_space<vmem_shared>>
      %dma_start3A_208 = arith.constant 0 : i32
      %dma_start3A_209 = arith.constant 0 : i32
      %dma_start3A_210 = tpu.memref_slice %arg9[%run_scoped3A_166, %dma_start3A_208, %dma_start3A_209] : memref<2x128x128xf32, #tpu.memory_space<vmem>> -> memref<1x128x128xf32, #tpu.memory_space<vmem>>
      %dma_start3A_211 = tpu.memref_squeeze %dma_start3A_210 : memref<1x128x128xf32, #tpu.memory_space<vmem>> -> memref<128x128xf32, #tpu.memory_space<vmem>>
      %dma_start3A_212 = arith.constant 0 : i32
      %dma_start3A_213 = tpu.memref_slice %arg10[%add3A_165, %dma_start3A_212] : memref<10240x128xf32, #tpu.memory_space<vmem_shared>> -> memref<128x128xf32, #tpu.memory_space<vmem_shared>>
      tpu.enqueue_dma source(%dma_start3A_213 : memref<128x128xf32, #tpu.memory_space<vmem_shared>>) target(%dma_start3A_211 : memref<128x128xf32, #tpu.memory_space<vmem>>) target_semaphore(%run_scoped3A_201 : memref<!tpu.dma_semaphore, #tpu.memory_space<semaphore_mem>>)
      %dma_wait3A_214 = arith.constant 0 : i32
      %dma_wait3A_215 = arith.constant 0 : i32
      %dma_wait3A_216 = tpu.memref_slice %arg9[%run_scoped3A_166, %dma_wait3A_214, %dma_wait3A_215] : memref<2x128x128xf32, #tpu.memory_space<vmem>> -> memref<1x128x128xf32, #tpu.memory_space<vmem>>
      %dma_wait3A_217 = tpu.memref_squeeze %dma_wait3A_216 : memref<1x128x128xf32, #tpu.memory_space<vmem>> -> memref<128x128xf32, #tpu.memory_space<vmem>>
      %dma_wait3A_218 = arith.constant 0 : i32
      %dma_wait3A_219 = tpu.memref_slice %arg10[%add3A_165, %dma_wait3A_218] : memref<10240x128xf32, #tpu.memory_space<vmem_shared>> -> memref<128x128xf32, #tpu.memory_space<vmem_shared>>
      %dma_wait3A_220 = arith.constant 0 : i32
      %dma_wait3A_221 = arith.constant 0 : i32
      %dma_wait3A_222 = tpu.memref_slice %arg9[%run_scoped3A_166, %dma_wait3A_220, %dma_wait3A_221] : memref<2x128x128xf32, #tpu.memory_space<vmem>> -> memref<1x128x128xf32, #tpu.memory_space<vmem>>
      %dma_wait3A_223 = tpu.memref_squeeze %dma_wait3A_222 : memref<1x128x128xf32, #tpu.memory_space<vmem>> -> memref<128x128xf32, #tpu.memory_space<vmem>>
      %dma_wait3A_224 = arith.constant 0 : i32
      %dma_wait3A_225 = tpu.memref_slice %arg10[%add3A_165, %dma_wait3A_224] : memref<10240x128xf32, #tpu.memory_space<vmem_shared>> -> memref<128x128xf32, #tpu.memory_space<vmem_shared>>
      tpu.wait_dma2 semaphore(%run_scoped3A_201 : memref<!tpu.dma_semaphore, #tpu.memory_space<semaphore_mem>>) src(%dma_wait3A_225 : memref<128x128xf32, #tpu.memory_space<vmem_shared>>) dst(%dma_wait3A_223 : memref<128x128xf32, #tpu.memory_space<vmem>>)
      tpu.yield
    }) : () -> ()
    %mul3A_167 = arith.constant 10240 : i32
    %mul3A_168 = arith.muli %arg0, %mul3A_167 : i32
    %mul3A_169 = arith.constant 640 : i32
    %mul3A_170 = arith.muli %arg1, %mul3A_169 : i32
    %add3A_171 = arith.addi %mul3A_168, %mul3A_170 : i32
    %add3A_172 = arith.constant 256 : i32
    %add3A_173 = arith.addi %add3A_171, %add3A_172 : i32
    %run_scoped3A_174 = arith.constant 0 : i32
    "tpu.region"() ({
      %run_scoped3A_201 = tpu.sem_alloc : memref<!tpu.dma_semaphore, #tpu.memory_space<semaphore_mem>>
      %dma_start3A_202 = arith.constant 0 : i32
      %dma_start3A_203 = arith.constant 0 : i32
      %dma_start3A_204 = tpu.memref_slice %arg9[%run_scoped3A_174, %dma_start3A_202, %dma_start3A_203] : memref<2x128x128xf32, #tpu.memory_space<vmem>> -> memref<1x128x128xf32, #tpu.memory_space<vmem>>
      %dma_start3A_205 = tpu.memref_squeeze %dma_start3A_204 : memref<1x128x128xf32, #tpu.memory_space<vmem>> -> memref<128x128xf32, #tpu.memory_space<vmem>>
      %dma_start3A_206 = arith.constant 0 : i32
      %dma_start3A_207 = tpu.memref_slice %arg6[%add3A_173, %dma_start3A_206] : memref<20480x128xf32, #tpu.memory_space<hbm>> -> memref<128x128xf32, #tpu.memory_space<hbm>>
      %dma_start3A_208 = arith.constant 0 : i32
      %dma_start3A_209 = tpu.memref_slice %arg6[%add3A_173, %dma_start3A_208] : memref<20480x128xf32, #tpu.memory_space<hbm>> -> memref<128x128xf32, #tpu.memory_space<hbm>>
      %dma_start3A_210 = arith.constant 0 : i32
      %dma_start3A_211 = arith.constant 0 : i32
      %dma_start3A_212 = tpu.memref_slice %arg9[%run_scoped3A_174, %dma_start3A_210, %dma_start3A_211] : memref<2x128x128xf32, #tpu.memory_space<vmem>> -> memref<1x128x128xf32, #tpu.memory_space<vmem>>
      %dma_start3A_213 = tpu.memref_squeeze %dma_start3A_212 : memref<1x128x128xf32, #tpu.memory_space<vmem>> -> memref<128x128xf32, #tpu.memory_space<vmem>>
      tpu.enqueue_dma source(%dma_start3A_213 : memref<128x128xf32, #tpu.memory_space<vmem>>) target(%dma_start3A_209 : memref<128x128xf32, #tpu.memory_space<hbm>>) target_semaphore(%run_scoped3A_201 : memref<!tpu.dma_semaphore, #tpu.memory_space<semaphore_mem>>)
      %dma_wait3A_214 = arith.constant 0 : i32
      %dma_wait3A_215 = arith.constant 0 : i32
      %dma_wait3A_216 = tpu.memref_slice %arg9[%run_scoped3A_174, %dma_wait3A_214, %dma_wait3A_215] : memref<2x128x128xf32, #tpu.memory_space<vmem>> -> memref<1x128x128xf32, #tpu.memory_space<vmem>>
      %dma_wait3A_217 = tpu.memref_squeeze %dma_wait3A_216 : memref<1x128x128xf32, #tpu.memory_space<vmem>> -> memref<128x128xf32, #tpu.memory_space<vmem>>
      %dma_wait3A_218 = arith.constant 0 : i32
      %dma_wait3A_219 = tpu.memref_slice %arg6[%add3A_173, %dma_wait3A_218] : memref<20480x128xf32, #tpu.memory_space<hbm>> -> memref<128x128xf32, #tpu.memory_space<hbm>>
      %dma_wait3A_220 = arith.constant 0 : i32
      %dma_wait3A_221 = tpu.memref_slice %arg6[%add3A_173, %dma_wait3A_220] : memref<20480x128xf32, #tpu.memory_space<hbm>> -> memref<128x128xf32, #tpu.memory_space<hbm>>
      %dma_wait3A_222 = arith.constant 0 : i32
      %dma_wait3A_223 = arith.constant 0 : i32
      %dma_wait3A_224 = tpu.memref_slice %arg9[%run_scoped3A_174, %dma_wait3A_222, %dma_wait3A_223] : memref<2x128x128xf32, #tpu.memory_space<vmem>> -> memref<1x128x128xf32, #tpu.memory_space<vmem>>
      %dma_wait3A_225 = tpu.memref_squeeze %dma_wait3A_224 : memref<1x128x128xf32, #tpu.memory_space<vmem>> -> memref<128x128xf32, #tpu.memory_space<vmem>>
      tpu.wait_dma2 semaphore(%run_scoped3A_201 : memref<!tpu.dma_semaphore, #tpu.memory_space<semaphore_mem>>) src(%dma_wait3A_225 : memref<128x128xf32, #tpu.memory_space<vmem>>) dst(%dma_wait3A_221 : memref<128x128xf32, #tpu.memory_space<hbm>>)
      tpu.yield
    }) : () -> ()
    %mul3A_175 = arith.constant 640 : i32
    %mul3A_176 = arith.muli %arg1, %mul3A_175 : i32
    %add3A_177 = arith.constant 384 : i32
    %add3A_178 = arith.addi %mul3A_176, %add3A_177 : i32
    %run_scoped3A_179 = arith.constant 1 : i32
    "tpu.region"() ({
      %run_scoped3A_201 = tpu.sem_alloc : memref<!tpu.dma_semaphore, #tpu.memory_space<semaphore_mem>>
      %dma_start3A_202 = arith.constant 0 : i32
      %dma_start3A_203 = arith.constant 0 : i32
      %dma_start3A_204 = tpu.memref_slice %arg9[%run_scoped3A_179, %dma_start3A_202, %dma_start3A_203] : memref<2x128x128xf32, #tpu.memory_space<vmem>> -> memref<1x128x128xf32, #tpu.memory_space<vmem>>
      %dma_start3A_205 = tpu.memref_squeeze %dma_start3A_204 : memref<1x128x128xf32, #tpu.memory_space<vmem>> -> memref<128x128xf32, #tpu.memory_space<vmem>>
      %dma_start3A_206 = arith.constant 0 : i32
      %dma_start3A_207 = tpu.memref_slice %arg10[%add3A_178, %dma_start3A_206] : memref<10240x128xf32, #tpu.memory_space<vmem_shared>> -> memref<128x128xf32, #tpu.memory_space<vmem_shared>>
      %dma_start3A_208 = arith.constant 0 : i32
      %dma_start3A_209 = arith.constant 0 : i32
      %dma_start3A_210 = tpu.memref_slice %arg9[%run_scoped3A_179, %dma_start3A_208, %dma_start3A_209] : memref<2x128x128xf32, #tpu.memory_space<vmem>> -> memref<1x128x128xf32, #tpu.memory_space<vmem>>
      %dma_start3A_211 = tpu.memref_squeeze %dma_start3A_210 : memref<1x128x128xf32, #tpu.memory_space<vmem>> -> memref<128x128xf32, #tpu.memory_space<vmem>>
      %dma_start3A_212 = arith.constant 0 : i32
      %dma_start3A_213 = tpu.memref_slice %arg10[%add3A_178, %dma_start3A_212] : memref<10240x128xf32, #tpu.memory_space<vmem_shared>> -> memref<128x128xf32, #tpu.memory_space<vmem_shared>>
      tpu.enqueue_dma source(%dma_start3A_213 : memref<128x128xf32, #tpu.memory_space<vmem_shared>>) target(%dma_start3A_211 : memref<128x128xf32, #tpu.memory_space<vmem>>) target_semaphore(%run_scoped3A_201 : memref<!tpu.dma_semaphore, #tpu.memory_space<semaphore_mem>>)
      %dma_wait3A_214 = arith.constant 0 : i32
      %dma_wait3A_215 = arith.constant 0 : i32
      %dma_wait3A_216 = tpu.memref_slice %arg9[%run_scoped3A_179, %dma_wait3A_214, %dma_wait3A_215] : memref<2x128x128xf32, #tpu.memory_space<vmem>> -> memref<1x128x128xf32, #tpu.memory_space<vmem>>
      %dma_wait3A_217 = tpu.memref_squeeze %dma_wait3A_216 : memref<1x128x128xf32, #tpu.memory_space<vmem>> -> memref<128x128xf32, #tpu.memory_space<vmem>>
      %dma_wait3A_218 = arith.constant 0 : i32
      %dma_wait3A_219 = tpu.memref_slice %arg10[%add3A_178, %dma_wait3A_218] : memref<10240x128xf32, #tpu.memory_space<vmem_shared>> -> memref<128x128xf32, #tpu.memory_space<vmem_shared>>
      %dma_wait3A_220 = arith.constant 0 : i32
      %dma_wait3A_221 = arith.constant 0 : i32
      %dma_wait3A_222 = tpu.memref_slice %arg9[%run_scoped3A_179, %dma_wait3A_220, %dma_wait3A_221] : memref<2x128x128xf32, #tpu.memory_space<vmem>> -> memref<1x128x128xf32, #tpu.memory_space<vmem>>
      %dma_wait3A_223 = tpu.memref_squeeze %dma_wait3A_222 : memref<1x128x128xf32, #tpu.memory_space<vmem>> -> memref<128x128xf32, #tpu.memory_space<vmem>>
      %dma_wait3A_224 = arith.constant 0 : i32
      %dma_wait3A_225 = tpu.memref_slice %arg10[%add3A_178, %dma_wait3A_224] : memref<10240x128xf32, #tpu.memory_space<vmem_shared>> -> memref<128x128xf32, #tpu.memory_space<vmem_shared>>
      tpu.wait_dma2 semaphore(%run_scoped3A_201 : memref<!tpu.dma_semaphore, #tpu.memory_space<semaphore_mem>>) src(%dma_wait3A_225 : memref<128x128xf32, #tpu.memory_space<vmem_shared>>) dst(%dma_wait3A_223 : memref<128x128xf32, #tpu.memory_space<vmem>>)
      tpu.yield
    }) : () -> ()
    %mul3A_180 = arith.constant 10240 : i32
    %mul3A_181 = arith.muli %arg0, %mul3A_180 : i32
    %mul3A_182 = arith.constant 640 : i32
    %mul3A_183 = arith.muli %arg1, %mul3A_182 : i32
    %add3A_184 = arith.addi %mul3A_181, %mul3A_183 : i32
    %add3A_185 = arith.constant 384 : i32
    %add3A_186 = arith.addi %add3A_184, %add3A_185 : i32
    %run_scoped3A_187 = arith.constant 1 : i32
    "tpu.region"() ({
      %run_scoped3A_201 = tpu.sem_alloc : memref<!tpu.dma_semaphore, #tpu.memory_space<semaphore_mem>>
      %dma_start3A_202 = arith.constant 0 : i32
      %dma_start3A_203 = arith.constant 0 : i32
      %dma_start3A_204 = tpu.memref_slice %arg9[%run_scoped3A_187, %dma_start3A_202, %dma_start3A_203] : memref<2x128x128xf32, #tpu.memory_space<vmem>> -> memref<1x128x128xf32, #tpu.memory_space<vmem>>
      %dma_start3A_205 = tpu.memref_squeeze %dma_start3A_204 : memref<1x128x128xf32, #tpu.memory_space<vmem>> -> memref<128x128xf32, #tpu.memory_space<vmem>>
      %dma_start3A_206 = arith.constant 0 : i32
      %dma_start3A_207 = tpu.memref_slice %arg6[%add3A_186, %dma_start3A_206] : memref<20480x128xf32, #tpu.memory_space<hbm>> -> memref<128x128xf32, #tpu.memory_space<hbm>>
      %dma_start3A_208 = arith.constant 0 : i32
      %dma_start3A_209 = tpu.memref_slice %arg6[%add3A_186, %dma_start3A_208] : memref<20480x128xf32, #tpu.memory_space<hbm>> -> memref<128x128xf32, #tpu.memory_space<hbm>>
      %dma_start3A_210 = arith.constant 0 : i32
      %dma_start3A_211 = arith.constant 0 : i32
      %dma_start3A_212 = tpu.memref_slice %arg9[%run_scoped3A_187, %dma_start3A_210, %dma_start3A_211] : memref<2x128x128xf32, #tpu.memory_space<vmem>> -> memref<1x128x128xf32, #tpu.memory_space<vmem>>
      %dma_start3A_213 = tpu.memref_squeeze %dma_start3A_212 : memref<1x128x128xf32, #tpu.memory_space<vmem>> -> memref<128x128xf32, #tpu.memory_space<vmem>>
      tpu.enqueue_dma source(%dma_start3A_213 : memref<128x128xf32, #tpu.memory_space<vmem>>) target(%dma_start3A_209 : memref<128x128xf32, #tpu.memory_space<hbm>>) target_semaphore(%run_scoped3A_201 : memref<!tpu.dma_semaphore, #tpu.memory_space<semaphore_mem>>)
      %dma_wait3A_214 = arith.constant 0 : i32
      %dma_wait3A_215 = arith.constant 0 : i32
      %dma_wait3A_216 = tpu.memref_slice %arg9[%run_scoped3A_187, %dma_wait3A_214, %dma_wait3A_215] : memref<2x128x128xf32, #tpu.memory_space<vmem>> -> memref<1x128x128xf32, #tpu.memory_space<vmem>>
      %dma_wait3A_217 = tpu.memref_squeeze %dma_wait3A_216 : memref<1x128x128xf32, #tpu.memory_space<vmem>> -> memref<128x128xf32, #tpu.memory_space<vmem>>
      %dma_wait3A_218 = arith.constant 0 : i32
      %dma_wait3A_219 = tpu.memref_slice %arg6[%add3A_186, %dma_wait3A_218] : memref<20480x128xf32, #tpu.memory_space<hbm>> -> memref<128x128xf32, #tpu.memory_space<hbm>>
      %dma_wait3A_220 = arith.constant 0 : i32
      %dma_wait3A_221 = tpu.memref_slice %arg6[%add3A_186, %dma_wait3A_220] : memref<20480x128xf32, #tpu.memory_space<hbm>> -> memref<128x128xf32, #tpu.memory_space<hbm>>
      %dma_wait3A_222 = arith.constant 0 : i32
      %dma_wait3A_223 = arith.constant 0 : i32
      %dma_wait3A_224 = tpu.memref_slice %arg9[%run_scoped3A_187, %dma_wait3A_222, %dma_wait3A_223] : memref<2x128x128xf32, #tpu.memory_space<vmem>> -> memref<1x128x128xf32, #tpu.memory_space<vmem>>
      %dma_wait3A_225 = tpu.memref_squeeze %dma_wait3A_224 : memref<1x128x128xf32, #tpu.memory_space<vmem>> -> memref<128x128xf32, #tpu.memory_space<vmem>>
      tpu.wait_dma2 semaphore(%run_scoped3A_201 : memref<!tpu.dma_semaphore, #tpu.memory_space<semaphore_mem>>) src(%dma_wait3A_225 : memref<128x128xf32, #tpu.memory_space<vmem>>) dst(%dma_wait3A_221 : memref<128x128xf32, #tpu.memory_space<hbm>>)
      tpu.yield
    }) : () -> ()
    %mul3A_188 = arith.constant 640 : i32
    %mul3A_189 = arith.muli %arg1, %mul3A_188 : i32
    %add3A_190 = arith.constant 512 : i32
    %add3A_191 = arith.addi %mul3A_189, %add3A_190 : i32
    %run_scoped3A_192 = arith.constant 0 : i32
    "tpu.region"() ({
      %run_scoped3A_201 = tpu.sem_alloc : memref<!tpu.dma_semaphore, #tpu.memory_space<semaphore_mem>>
      %dma_start3A_202 = arith.constant 0 : i32
      %dma_start3A_203 = arith.constant 0 : i32
      %dma_start3A_204 = tpu.memref_slice %arg9[%run_scoped3A_192, %dma_start3A_202, %dma_start3A_203] : memref<2x128x128xf32, #tpu.memory_space<vmem>> -> memref<1x128x128xf32, #tpu.memory_space<vmem>>
      %dma_start3A_205 = tpu.memref_squeeze %dma_start3A_204 : memref<1x128x128xf32, #tpu.memory_space<vmem>> -> memref<128x128xf32, #tpu.memory_space<vmem>>
      %dma_start3A_206 = arith.constant 0 : i32
      %dma_start3A_207 = tpu.memref_slice %arg10[%add3A_191, %dma_start3A_206] : memref<10240x128xf32, #tpu.memory_space<vmem_shared>> -> memref<128x128xf32, #tpu.memory_space<vmem_shared>>
      %dma_start3A_208 = arith.constant 0 : i32
      %dma_start3A_209 = arith.constant 0 : i32
      %dma_start3A_210 = tpu.memref_slice %arg9[%run_scoped3A_192, %dma_start3A_208, %dma_start3A_209] : memref<2x128x128xf32, #tpu.memory_space<vmem>> -> memref<1x128x128xf32, #tpu.memory_space<vmem>>
      %dma_start3A_211 = tpu.memref_squeeze %dma_start3A_210 : memref<1x128x128xf32, #tpu.memory_space<vmem>> -> memref<128x128xf32, #tpu.memory_space<vmem>>
      %dma_start3A_212 = arith.constant 0 : i32
      %dma_start3A_213 = tpu.memref_slice %arg10[%add3A_191, %dma_start3A_212] : memref<10240x128xf32, #tpu.memory_space<vmem_shared>> -> memref<128x128xf32, #tpu.memory_space<vmem_shared>>
      tpu.enqueue_dma source(%dma_start3A_213 : memref<128x128xf32, #tpu.memory_space<vmem_shared>>) target(%dma_start3A_211 : memref<128x128xf32, #tpu.memory_space<vmem>>) target_semaphore(%run_scoped3A_201 : memref<!tpu.dma_semaphore, #tpu.memory_space<semaphore_mem>>)
      %dma_wait3A_214 = arith.constant 0 : i32
      %dma_wait3A_215 = arith.constant 0 : i32
      %dma_wait3A_216 = tpu.memref_slice %arg9[%run_scoped3A_192, %dma_wait3A_214, %dma_wait3A_215] : memref<2x128x128xf32, #tpu.memory_space<vmem>> -> memref<1x128x128xf32, #tpu.memory_space<vmem>>
      %dma_wait3A_217 = tpu.memref_squeeze %dma_wait3A_216 : memref<1x128x128xf32, #tpu.memory_space<vmem>> -> memref<128x128xf32, #tpu.memory_space<vmem>>
      %dma_wait3A_218 = arith.constant 0 : i32
      %dma_wait3A_219 = tpu.memref_slice %arg10[%add3A_191, %dma_wait3A_218] : memref<10240x128xf32, #tpu.memory_space<vmem_shared>> -> memref<128x128xf32, #tpu.memory_space<vmem_shared>>
      %dma_wait3A_220 = arith.constant 0 : i32
      %dma_wait3A_221 = arith.constant 0 : i32
      %dma_wait3A_222 = tpu.memref_slice %arg9[%run_scoped3A_192, %dma_wait3A_220, %dma_wait3A_221] : memref<2x128x128xf32, #tpu.memory_space<vmem>> -> memref<1x128x128xf32, #tpu.memory_space<vmem>>
      %dma_wait3A_223 = tpu.memref_squeeze %dma_wait3A_222 : memref<1x128x128xf32, #tpu.memory_space<vmem>> -> memref<128x128xf32, #tpu.memory_space<vmem>>
      %dma_wait3A_224 = arith.constant 0 : i32
      %dma_wait3A_225 = tpu.memref_slice %arg10[%add3A_191, %dma_wait3A_224] : memref<10240x128xf32, #tpu.memory_space<vmem_shared>> -> memref<128x128xf32, #tpu.memory_space<vmem_shared>>
      tpu.wait_dma2 semaphore(%run_scoped3A_201 : memref<!tpu.dma_semaphore, #tpu.memory_space<semaphore_mem>>) src(%dma_wait3A_225 : memref<128x128xf32, #tpu.memory_space<vmem_shared>>) dst(%dma_wait3A_223 : memref<128x128xf32, #tpu.memory_space<vmem>>)
      tpu.yield
    }) : () -> ()
    %mul3A_193 = arith.constant 10240 : i32
    %mul3A_194 = arith.muli %arg0, %mul3A_193 : i32
    %mul3A_195 = arith.constant 640 : i32
    %mul3A_196 = arith.muli %arg1, %mul3A_195 : i32
    %add3A_197 = arith.addi %mul3A_194, %mul3A_196 : i32
    %add3A_198 = arith.constant 512 : i32
    %add3A_199 = arith.addi %add3A_197, %add3A_198 : i32
    %run_scoped3A_200 = arith.constant 0 : i32
    "tpu.region"() ({
      %run_scoped3A_201 = tpu.sem_alloc : memref<!tpu.dma_semaphore, #tpu.memory_space<semaphore_mem>>
      %dma_start3A_202 = arith.constant 0 : i32
      %dma_start3A_203 = arith.constant 0 : i32
      %dma_start3A_204 = tpu.memref_slice %arg9[%run_scoped3A_200, %dma_start3A_202, %dma_start3A_203] : memref<2x128x128xf32, #tpu.memory_space<vmem>> -> memref<1x128x128xf32, #tpu.memory_space<vmem>>
      %dma_start3A_205 = tpu.memref_squeeze %dma_start3A_204 : memref<1x128x128xf32, #tpu.memory_space<vmem>> -> memref<128x128xf32, #tpu.memory_space<vmem>>
      %dma_start3A_206 = arith.constant 0 : i32
      %dma_start3A_207 = tpu.memref_slice %arg6[%add3A_199, %dma_start3A_206] : memref<20480x128xf32, #tpu.memory_space<hbm>> -> memref<128x128xf32, #tpu.memory_space<hbm>>
      %dma_start3A_208 = arith.constant 0 : i32
      %dma_start3A_209 = tpu.memref_slice %arg6[%add3A_199, %dma_start3A_208] : memref<20480x128xf32, #tpu.memory_space<hbm>> -> memref<128x128xf32, #tpu.memory_space<hbm>>
      %dma_start3A_210 = arith.constant 0 : i32
      %dma_start3A_211 = arith.constant 0 : i32
      %dma_start3A_212 = tpu.memref_slice %arg9[%run_scoped3A_200, %dma_start3A_210, %dma_start3A_211] : memref<2x128x128xf32, #tpu.memory_space<vmem>> -> memref<1x128x128xf32, #tpu.memory_space<vmem>>
      %dma_start3A_213 = tpu.memref_squeeze %dma_start3A_212 : memref<1x128x128xf32, #tpu.memory_space<vmem>> -> memref<128x128xf32, #tpu.memory_space<vmem>>
      tpu.enqueue_dma source(%dma_start3A_213 : memref<128x128xf32, #tpu.memory_space<vmem>>) target(%dma_start3A_209 : memref<128x128xf32, #tpu.memory_space<hbm>>) target_semaphore(%run_scoped3A_201 : memref<!tpu.dma_semaphore, #tpu.memory_space<semaphore_mem>>)
      %dma_wait3A_214 = arith.constant 0 : i32
      %dma_wait3A_215 = arith.constant 0 : i32
      %dma_wait3A_216 = tpu.memref_slice %arg9[%run_scoped3A_200, %dma_wait3A_214, %dma_wait3A_215] : memref<2x128x128xf32, #tpu.memory_space<vmem>> -> memref<1x128x128xf32, #tpu.memory_space<vmem>>
      %dma_wait3A_217 = tpu.memref_squeeze %dma_wait3A_216 : memref<1x128x128xf32, #tpu.memory_space<vmem>> -> memref<128x128xf32, #tpu.memory_space<vmem>>
      %dma_wait3A_218 = arith.constant 0 : i32
      %dma_wait3A_219 = tpu.memref_slice %arg6[%add3A_199, %dma_wait3A_218] : memref<20480x128xf32, #tpu.memory_space<hbm>> -> memref<128x128xf32, #tpu.memory_space<hbm>>
      %dma_wait3A_220 = arith.constant 0 : i32
      %dma_wait3A_221 = tpu.memref_slice %arg6[%add3A_199, %dma_wait3A_220] : memref<20480x128xf32, #tpu.memory_space<hbm>> -> memref<128x128xf32, #tpu.memory_space<hbm>>
      %dma_wait3A_222 = arith.constant 0 : i32
      %dma_wait3A_223 = arith.constant 0 : i32
      %dma_wait3A_224 = tpu.memref_slice %arg9[%run_scoped3A_200, %dma_wait3A_222, %dma_wait3A_223] : memref<2x128x128xf32, #tpu.memory_space<vmem>> -> memref<1x128x128xf32, #tpu.memory_space<vmem>>
      %dma_wait3A_225 = tpu.memref_squeeze %dma_wait3A_224 : memref<1x128x128xf32, #tpu.memory_space<vmem>> -> memref<128x128xf32, #tpu.memory_space<vmem>>
      tpu.wait_dma2 semaphore(%run_scoped3A_201 : memref<!tpu.dma_semaphore, #tpu.memory_space<semaphore_mem>>) src(%dma_wait3A_225 : memref<128x128xf32, #tpu.memory_space<vmem>>) dst(%dma_wait3A_221 : memref<128x128xf32, #tpu.memory_space<hbm>>)
      tpu.yield
    }) : () -> ()
    return
  }
}

module attributes {stable_mosaic.version = 14 : i64} {
  func.func @body(%arg0: i32, %arg1: memref<1024x128xf32, #tpu.memory_space<vmem>>, %arg2: memref<128x128xf32, #tpu.memory_space<vmem>>, %arg3: memref<1024x1xf32, #tpu.memory_space<vmem>>, %arg4: memref<1024x1xf32, #tpu.memory_space<vmem>>, %arg5: memref<1024x128xf32, #tpu.memory_space<vmem>>, %arg6: memref<1024x1xf32, #tpu.memory_space<vmem>>) attributes {dimension_semantics = [#tpu.dimension_semantics<arbitrary>], iteration_bounds = array<i64: 10>, scalar_prefetch = 0 : i64, scratch_operands = 0 : i64, tpu.core_type = #tpu.core_type<tc>, window_params = [{transform_indices = @transform_0, window_bounds = array<i64: 1024, 128>}, {pipeline_mode = #tpu.pipeline_mode<synchronous>, transform_indices = @transform_1, window_bounds = array<i64: 128, 128>}, {transform_indices = @transform_2, window_bounds = array<i64: 1024, 1>}, {transform_indices = @transform_3, window_bounds = array<i64: 1024, 1>}, {transform_indices = @transform_4, window_bounds = array<i64: 1024, 128>}, {transform_indices = @transform_5, window_bounds = array<i64: 1024, 1>}]} {
    %get3A = arith.constant 0 : index
    %get3A_0 = arith.constant 0 : index
    %get3A_1 = vector.load %arg3[%get3A, %get3A_0] : memref<1024x1xf32, #tpu.memory_space<vmem>>, vector<1024x1xf32>
    %get3A_2 = arith.constant 0 : index
    %get3A_3 = arith.constant 0 : index
    %get3A_4 = vector.load %arg4[%get3A_2, %get3A_3] : memref<1024x1xf32, #tpu.memory_space<vmem>>, vector<1024x1xf32>
    %add3A = arith.addf %get3A_1, %get3A_4 : vector<1024x1xf32>
    %add3A_5 = arith.constant 1.000000e+00 : f32
    %add3A_6 = vector.broadcast %add3A_5 : f32 to vector<1024x1xf32>
    %add3A_7 = arith.addf %add3A, %add3A_6 : vector<1024x1xf32>
    %rsqrt3A = math.rsqrt %add3A_7 : vector<1024x1xf32>
    %get3A_8 = arith.constant 0 : index
    %get3A_9 = arith.constant 0 : index
    %get3A_10 = vector.load %arg1[%get3A_8, %get3A_9] : memref<1024x128xf32, #tpu.memory_space<vmem>>, vector<1024x128xf32>
    %get3A_11 = arith.constant 0 : index
    %get3A_12 = arith.constant 0 : index
    %get3A_13 = vector.load %arg2[%get3A_11, %get3A_12] : memref<128x128xf32, #tpu.memory_space<vmem>>, vector<128x128xf32>
    %dot_general3A = arith.constant dense<0.000000e+00> : vector<1024x128xf32>
    %dot_general3A_14 = tpu.matmul %get3A_10, %get3A_13, %dot_general3A {dimension_numbers = #tpu.dot_dimension_numbers<[1], [0], [0], [1], [0, 0, 1, 1], [], []>, transpose_lhs_hint = false} : vector<1024x128xf32>, vector<128x128xf32>, vector<1024x128xf32> -> vector<1024x128xf32>
    %mul3A = vector.broadcast %rsqrt3A : vector<1024x1xf32> to vector<1024x128xf32>
    %mul3A_15 = arith.mulf %dot_general3A_14, %mul3A : vector<1024x128xf32>
    %swap3A = arith.constant 0 : index
    %swap3A_16 = arith.constant 0 : index
    %swap3A_17 = vector.load %arg5[%swap3A, %swap3A_16] : memref<1024x128xf32, #tpu.memory_space<vmem>>, vector<1024x128xf32>
    tpu.vector_store %arg5[%swap3A, %swap3A_16], %mul3A_15 {strides = array<i32>} : memref<1024x128xf32, #tpu.memory_space<vmem>>, vector<1024x128xf32>,
    %swap3A_18 = arith.constant 0 : index
    %swap3A_19 = arith.constant 0 : index
    %swap3A_20 = vector.load %arg6[%swap3A_18, %swap3A_19] : memref<1024x1xf32, #tpu.memory_space<vmem>>, vector<1024x1xf32>
    tpu.vector_store %arg6[%swap3A_18, %swap3A_19], %rsqrt3A {strides = array<i32>} : memref<1024x1xf32, #tpu.memory_space<vmem>>, vector<1024x1xf32>,
    return
  }
  func.func @transform_0(%arg0: i32) -> (i32, i32) {
    %c0_i32 = arith.constant 0 : i32
    %c0_i32_0 = arith.constant 0 : i32
    return %arg0, %c0_i32 : i32, i32
  }
  func.func @transform_1(%arg0: i32) -> (i32, i32) {
    %c0_i32 = arith.constant 0 : i32
    %c0_i32_0 = arith.constant 0 : i32
    %c0_i32_1 = arith.constant 0 : i32
    return %c0_i32, %c0_i32_0 : i32, i32
  }
  func.func @transform_2(%arg0: i32) -> (i32, i32) {
    %c0_i32 = arith.constant 0 : i32
    %c0_i32_0 = arith.constant 0 : i32
    return %arg0, %c0_i32 : i32, i32
  }
  func.func @transform_3(%arg0: i32) -> (i32, i32) {
    %c0_i32 = arith.constant 0 : i32
    %c0_i32_0 = arith.constant 0 : i32
    return %arg0, %c0_i32 : i32, i32
  }
  func.func @transform_4(%arg0: i32) -> (i32, i32) {
    %c0_i32 = arith.constant 0 : i32
    %c0_i32_0 = arith.constant 0 : i32
    return %arg0, %c0_i32 : i32, i32
  }
  func.func @transform_5(%arg0: i32) -> (i32, i32) {
    %c0_i32 = arith.constant 0 : i32
    %c0_i32_0 = arith.constant 0 : i32
    return %arg0, %c0_i32 : i32, i32
  }
}

module attributes {stable_mosaic.version = 14 : i64} {
  func.func @body(%arg0: i32, %arg1: memref<1024x128xf32, #tpu.memory_space<vmem>>, %arg2: memref<1024x128xf32, #tpu.memory_space<vmem>>, %arg3: memref<1024x128xf32, #tpu.memory_space<vmem>>, %arg4: memref<1024x1xf32, #tpu.memory_space<vmem>>, %arg5: memref<1x128xf32, #tpu.memory_space<vmem>>, %arg6: memref<1024x128xf32, #tpu.memory_space<vmem>>) attributes {dimension_semantics = [#tpu.dimension_semantics<arbitrary>], iteration_bounds = array<i64: 10>, scalar_prefetch = 0 : i64, scratch_operands = 0 : i64, tpu.core_type = #tpu.core_type<tc>, window_params = [{transform_indices = @transform_0, window_bounds = array<i64: 1024, 128>}, {transform_indices = @transform_1, window_bounds = array<i64: 1024, 128>}, {transform_indices = @transform_2, window_bounds = array<i64: 1024, 128>}, {transform_indices = @transform_3, window_bounds = array<i64: 1024, 1>}, {pipeline_mode = #tpu.pipeline_mode<synchronous>, transform_indices = @transform_4, window_bounds = array<i64: 1, 128>}, {transform_indices = @transform_5, window_bounds = array<i64: 1024, 128>}]} {
    %get3A = arith.constant 0 : index
    %get3A_0 = arith.constant 0 : index
    %get3A_1 = vector.load %arg1[%get3A, %get3A_0] : memref<1024x128xf32, #tpu.memory_space<vmem>>, vector<1024x128xf32>
    %get3A_2 = arith.constant 0 : index
    %get3A_3 = arith.constant 0 : index
    %get3A_4 = vector.load %arg2[%get3A_2, %get3A_3] : memref<1024x128xf32, #tpu.memory_space<vmem>>, vector<1024x128xf32>
    %add3A = arith.addf %get3A_1, %get3A_4 : vector<1024x128xf32>
    %get3A_5 = arith.constant 0 : index
    %get3A_6 = arith.constant 0 : index
    %get3A_7 = vector.load %arg3[%get3A_5, %get3A_6] : memref<1024x128xf32, #tpu.memory_space<vmem>>, vector<1024x128xf32>
    %add3A_8 = arith.addf %add3A, %get3A_7 : vector<1024x128xf32>
    %get3A_9 = arith.constant 0 : index
    %get3A_10 = arith.constant 0 : index
    %get3A_11 = vector.load %arg4[%get3A_9, %get3A_10] : memref<1024x1xf32, #tpu.memory_space<vmem>>, vector<1024x1xf32>
    %mul3A = vector.broadcast %get3A_11 : vector<1024x1xf32> to vector<1024x128xf32>
    %mul3A_12 = arith.mulf %add3A_8, %mul3A : vector<1024x128xf32>
    %get3A_13 = arith.constant 0 : index
    %get3A_14 = arith.constant 0 : index
    %get3A_15 = vector.load %arg5[%get3A_13, %get3A_14] : memref<1x128xf32, #tpu.memory_space<vmem>>, vector<1x128xf32>
    %add3A_16 = vector.broadcast %get3A_15 : vector<1x128xf32> to vector<1024x128xf32>
    %add3A_17 = arith.addf %mul3A_12, %add3A_16 : vector<1024x128xf32>
    %gt3A = arith.constant 0.000000e+00 : f32
    %gt3A_18 = vector.broadcast %gt3A : f32 to vector<1024x128xf32>
    %gt3A_19 = arith.cmpf ogt, %add3A_17, %gt3A_18 : vector<1024x128xf32>
    %min3A = arith.constant 0.000000e+00 : f32
    %min3A_20 = vector.broadcast %min3A : f32 to vector<1024x128xf32>
    %min3A_21 = arith.minimumf %add3A_17, %min3A_20 : vector<1024x128xf32>
    %exp3A = math.exp %min3A_21 : vector<1024x128xf32>
    %sub3A = arith.constant 1.000000e+00 : f32
    %sub3A_22 = vector.broadcast %sub3A : f32 to vector<1024x128xf32>
    %sub3A_23 = arith.subf %exp3A, %sub3A_22 : vector<1024x128xf32>
    %select_n3A = arith.select %gt3A_19, %add3A_17, %sub3A_23 : vector<1024x128xi1>, vector<1024x128xf32>
    %swap3A = arith.constant 0 : index
    %swap3A_24 = arith.constant 0 : index
    %swap3A_25 = vector.load %arg6[%swap3A, %swap3A_24] : memref<1024x128xf32, #tpu.memory_space<vmem>>, vector<1024x128xf32>
    tpu.vector_store %arg6[%swap3A, %swap3A_24], %select_n3A {strides = array<i32>} : memref<1024x128xf32, #tpu.memory_space<vmem>>, vector<1024x128xf32>,
    return
  }
  func.func @transform_0(%arg0: i32) -> (i32, i32) {
    %c0_i32 = arith.constant 0 : i32
    %c0_i32_0 = arith.constant 0 : i32
    return %arg0, %c0_i32 : i32, i32
  }
  func.func @transform_1(%arg0: i32) -> (i32, i32) {
    %add3A = arith.constant 10 : i32
    %add3A_0 = arith.addi %add3A, %arg0 : i32
    %c0_i32 = arith.constant 0 : i32
    %c0_i32_1 = arith.constant 0 : i32
    return %add3A_0, %c0_i32 : i32, i32
  }
  func.func @transform_2(%arg0: i32) -> (i32, i32) {
    %c0_i32 = arith.constant 0 : i32
    %c0_i32_0 = arith.constant 0 : i32
    return %arg0, %c0_i32 : i32, i32
  }
  func.func @transform_3(%arg0: i32) -> (i32, i32) {
    %c0_i32 = arith.constant 0 : i32
    %c0_i32_0 = arith.constant 0 : i32
    return %arg0, %c0_i32 : i32, i32
  }
  func.func @transform_4(%arg0: i32) -> (i32, i32) {
    %c0_i32 = arith.constant 0 : i32
    %c0_i32_0 = arith.constant 0 : i32
    %c0_i32_1 = arith.constant 0 : i32
    return %c0_i32, %c0_i32_0 : i32, i32
  }
  func.func @transform_5(%arg0: i32) -> (i32, i32) {
    %c0_i32 = arith.constant 0 : i32
    %c0_i32_0 = arith.constant 0 : i32
    return %arg0, %c0_i32 : i32, i32
  }
}

</mosaic_0001>

<sc_bundles>
// kernel: kernel.6.cloned.1.call-start
scs
__scs_entry_jumppad:
0x0: {  	(pc) =	sbr.rel $0x88, $3  }
0x1: {  	(tag) =	ssettag $0x0;
	lr =	simm.s32 $0x1  }
0x2: {  	[smem:$0x3F9D] =	sst lr;
	_ =	strace $0xD0000000  }
0x3: {  	_ = 	snop  }
0x4: {  	_ = 	snop  }
0x5: {  	_ = 	snop  }
0x6: {  	_ = 	snop  }
0x7: {  	_ = 	snop  }
__scs_overlays_trampoline_lowered:
0x8: {  	[smem:$0x3FAC] =	sst s0  }
0x9: {  	[smem:$0x3FAD] =	sst s1  }
0xa: {  	[smem:$0x3FAE] =	sst s2  }
0xb: {  	[smem:$0x3FAF] =	sst s3  }
0xc: {  	[smem:$0x3FB0] =	sst s4  }
0xd: {  	[smem:$0x3FB1] =	sst s5  }
0xe: {  	[smem:$0x3FB2] =	sst s6  }
0xf: {  	[smem:$0x3FB3] =	sst s7  }
0x10: {  	[smem:$0x3FB4] =	sst s8  }
0x11: {  	[smem:$0x3FB5] =	sst s9;
	s0 =	simm.s32 @!p0 $0x0  }
0x12: {  	s1 =	sld [smem:$0x3F9B];
	s0 =	simm.s32 @p0 $0x1  }
0x13: {  	[smem:$0x3FB6] =	sst s0;
	s0 =	simm.s32 @!p1 $0x0  }
0x14: {  	s2 =	sld [smem:$0x3F9A];
	s0 =	simm.s32 @p1 $0x1  }
0x15: {  	[smem:$0x3FB7] =	sst s0;
	s0 =	simm.s32 @!p2 $0x0  }
0x16: {  	s3 =	sld [smem:$0x3FDB];
	s0 =	simm.s32 @p2 $0x1  }
0x17: {  	s4 =	simm.s32 $0x1BF5;
	[smem:$0x3FB9] =	sst s0  }
0x18: {  	s0 =	sld [smem:$0x3F9C];
	_ =	swait.ge [sflag:s4], $0x0  }
0x19: {  	s7 =	sld [smem:$0x3F9D]  }
0x1a: {  	s8 =	sadd.s32 $0xFFFFE003, lr  }
0x1b: {  	s9 =	sadd.s32 $0xFFFFFEF7, lr;
	s5 =	simm.s32 $0xFFFFFFFF;
	p2 =	slt.u32 s8, $0xFFFFF086  }
0x1c: {  	p1 =	slt.u32 s9, $0xF7A;
	s5 =	simm.s32 @!p2 $0x0  }
0x1d: {  	s5 =	simm.s32 @p1 $0x1;
	p0 =	seq.s32 s7, s2  }
0x1e: {  	s7 =	smul.u32 @!p0 $0xF7A, s2;
	p2 =	seq.s32 @!p0 s5, $0x0  }
0x1f: {  	s9 =	smul.u32 $0xF7A, s1;
	s8 =	simm.s32 @!p0 $0x1BF5;
	p2 =	por !p2, p0  }
0x20: {  	[sflag:s8] =	ssyncset.s32 @!p0 $0xFFFFF086;
	s6 =	sadd.s32 @!p0 s3, s7;
	s7 =	simm.s32 @!p0 $0x108  }
0x21: {  	s3 =	sadd.s32 s3, s9;
	s6 =	sadd.s32 @!p0 $0x88, s6;
	s7 =	simm.s32 @p2 $0x1082  }
0x22: {  	[simem:s7], [sflag:s8] =	dma.local @!p0 [hbm:s6], $0xF7A  }
0x23: {  	s9 =	sor.u32 $0xD0000000, s2;
	s6 =	simm.s32 $0x108;
	_ =	swait.ge @!p0 [sflag:s8], $0x0  }
0x24: {  	s3 =	sadd.s32 $0x88, s3;
	s6 =	simm.s32 @!p1 $0x1082;
	[sflag:s4] =	ssyncset.s32 $0xFFFFF086  }
0x25: {  	[simem:s6], [sflag:s4] =	dma.local [hbm:s3], $0xF7A  }
0x26: {  	[smem:$0x3F9D] =	sst s1;
	(tag) =	ssettag s2;
	_ =	strace s9  }
0x27: {  	s1 =	sld [smem:$0x3FAD]  }
0x28: {  	s2 =	sld [smem:$0x3FAE]  }
0x29: {  	s4 =	sld [smem:$0x3FB0]  }
0x2a: {  	p0 =	seq.s32 s5, $0x0;
	s5 =	sld [smem:$0x3FB1]  }
0x2b: {  	s6 =	sld [smem:$0x3FB2]  }
0x2c: {  	s7 =	sld [smem:$0x3FB3]  }
0x2d: {  	s3 =	simm.s32 $0x108;
	s8 =	sld [smem:$0x3FB4]  }
0x2e: {  	s3 =	simm.s32 @!p0 $0x1082;
	s9 =	sld [smem:$0x3FB5]  }
0x2f: {  	lr =	sadd.s32 s0, s3;
	s0 =	sld [smem:$0x3FAC]  }
0x30: {  	s3 =	sld [smem:$0x3FAF]  }
0x31: {  	[smem:$0x3FB8] =	sst s10  }
0x32: {  	s10 =	sld [smem:$0x3FB6];
	_ =	sdelay $0x3  }
0x33: {  	p0 =	seq.s32 s10, $0x1;
	s10 =	sld [smem:$0x3FB8];
	_ =	sdelay $0x3  }
0x34: {  	[smem:$0x3FB8] =	sst s10  }
0x35: {  	s10 =	sld [smem:$0x3FB7];
	_ =	sdelay $0x3  }
0x36: {  	p1 =	seq.s32 s10, $0x1;
	s10 =	sld [smem:$0x3FB8];
	_ =	sdelay $0x3  }
0x37: {  	[smem:$0x3FB8] =	sst s10  }
0x38: {  	s10 =	sld [smem:$0x3FB9]  }
0x39: {  	_ = 	snop;
	(pc) =	sbr.ind lr, $3  }
0x3a: {  	_ = 	snop  }
0x3b: {  	_ = 	snop  }
0x3c: {  	p2 =	seq.s32 s10, $0x1;
	s10 =	sld [smem:$0x3FB8]  }
0x3d: {  	_ =	shalt  }
0x3e: {  	_ =	shalt  }
0x3f: {  	_ =	shalt  }
0x40: {  	_ =	shalt  }
0x41: {  	_ =	shalt  }
0x42: {  	_ =	shalt  }
0x43: {  	_ =	shalt  }
0x44: {  	_ =	shalt  }
0x45: {  	_ =	shalt  }
0x46: {  	_ =	shalt  }
0x47: {  	_ =	shalt  }
0x48: {  	_ =	shalt  }
0x49: {  	_ =	shalt  }
0x4a: {  	_ =	shalt  }
0x4b: {  	_ =	shalt  }
0x4c: {  	_ =	shalt  }
0x4d: {  	_ =	shalt  }
0x4e: {  	_ =	shalt  }
0x4f: {  	_ =	shalt  }
0x50: {  	_ =	shalt  }
0x51: {  	_ =	shalt  }
0x52: {  	_ =	shalt  }
0x53: {  	_ =	shalt  }
0x54: {  	_ =	shalt  }
0x55: {  	_ =	shalt  }
0x56: {  	_ =	shalt  }
0x57: {  	_ =	shalt  }
0x58: {  	_ =	shalt  }
0x59: {  	_ =	shalt  }
0x5a: {  	_ =	shalt  }
0x5b: {  	_ =	shalt  }
0x5c: {  	_ =	shalt  }
0x5d: {  	_ =	shalt  }
0x5e: {  	_ =	shalt  }
0x5f: {  	_ =	shalt  }
0x60: {  	_ =	shalt  }
0x61: {  	_ =	shalt  }
0x62: {  	_ =	shalt  }
0x63: {  	_ =	shalt  }
0x64: {  	_ =	shalt  }
0x65: {  	_ =	shalt  }
0x66: {  	_ =	shalt  }
0x67: {  	_ =	shalt  }
0x68: {  	_ =	shalt  }
0x69: {  	_ =	shalt  }
0x6a: {  	_ =	shalt  }
0x6b: {  	_ =	shalt  }
0x6c: {  	_ =	shalt  }
0x6d: {  	_ =	shalt  }
0x6e: {  	_ =	shalt  }
0x6f: {  	_ =	shalt  }
0x70: {  	_ =	shalt  }
0x71: {  	_ =	shalt  }
0x72: {  	_ =	shalt  }
0x73: {  	_ =	shalt  }
0x74: {  	_ =	shalt  }
0x75: {  	_ =	shalt  }
0x76: {  	_ =	shalt  }
0x77: {  	_ =	shalt  }
0x78: {  	_ =	shalt  }
0x79: {  	_ =	shalt  }
0x7a: {  	_ =	shalt  }
0x7b: {  	_ =	shalt  }
0x7c: {  	_ =	shalt  }
0x7d: {  	_ =	shalt  }
0x7e: {  	_ =	shalt  }
0x7f: {  	_ =	shalt  }
0x80: {  	_ =	shalt  }
0x81: {  	_ =	shalt  }
0x82: {  	_ =	shalt  }
0x83: {  	_ =	shalt  }
0x84: {  	_ =	shalt  }
0x85: {  	_ =	shalt  }
0x86: {  	_ =	shalt  }
0x87: {  	_ =	shalt  }
.Lfunc_end0:
.L_simem_size_0:
called_computation_lowered:
.L_overlay_start_0:
0x88: {  	s2 =	sld [smem:$0x3FD9]  }
0x89: {  	s3 =	sld [smem:$0x3FFE];
	_ =	sdelay $0x1  }
0x8a: {  	s1 =	srdreg.scid  }
0x8b: {  	s0 =	sand.u32 $0x1, s1  }
0x8c: {  	s16 =	sshll.u32 s0, $0xA;
	s2 =	sadd.s32 s3, s2  }
0x8d: {  	s2 =	sadd.s32 s2, s16  }
0x8e: {  	[smem:$0x3FC4] =	sst s2  }
0x8f: {  	_ = 	snop  }
0x90: {  	(tm) =	ssettm $0x1  }
0x91: {  	s17 =	sld [smem:$0x3FFB];
	_ =	sdelay $0x3  }
0x92: {  	_ =	strace s17  }
0x93: {  	s2 =	sld [smem:$0x3FFC];
	_ =	sdelay $0x3  }
0x94: {  	_ =	strace s2  }
0x95: {  	s2 =	sld [smem:$0x3FFD];
	_ =	sdelay $0x3  }
0x96: {  	_ =	strace s2  }
0x97: {  	_ =	strace $0x8FFFFFFF  }
0x98: {  	s18 =	sld [smem:$0x3FDB];
	_ =	sdelay $0x1  }
0x99: {  	s19 =	simm.s32 $_scs_section_size  }
0x9a: {  	s4 =	simm.s32 $_size__tile_overlayer_lowered;
	s5 =	simm.s32 $_tile_overlayer_lowered  }
0x9b: {  	s22 =	simm.s32 $0x1BFF;
	s21 =	sshll.u32 s5, $0x1;
	s2 =	sadd.s32 s19, s18  }
0x9c: {  	s6 =	simm.s32 $0x0;
	s20 =	sshll.u32 s4, $0x1;
	s4 =	sadd.s32 s21, s2  }
0x9d: {  	[timem:s6], [sflag:s22] =	dma.local [hbm:s4], s20  }
0x9e: {  	_ =	swait.ge [sflag:s22], s20  }
0x9f: {  	s3 =	ssub.s32 $0x0, s20;
	[sflag:s22] =	ssyncset.done $0x0  }
0xa0: {  	[sflag:s22] =	ssyncadd.s32 s3;
	_ =	sdelay $0x1  }
0xa1: {  	s23 =	simm.s32 $0x1B8B  }
0xa2: {  	_ =	swait.ge [sflag:s23], $0x1  }
0xa3: {  	[sflag:s23] =	ssyncset.done $0x0  }
0xa4: {  	s25 =	simm.s32 $0x1B8E;
	s24 =	sld [smem:$0x3FFE];
	[sflag:s23] =	ssyncadd.s32 $0xFFFFFFFF  }
0xa5: {  	s26 =	simm.s32 $execute0_lowered;
	[smem:$0x3FD2] =	sst s25  }
0xa6: {  	s4 =	sshll.u32 s26, $0x1;
	_ =	strace $0x80000046;
	[dreg:$0x1] =	wrdreg $0xFFFFFFFF  }
0xa7: {  	s28 =	simm.s32 $_size_execute0_lowered;
	s2 =	sadd.s32 s2, s4;
	[dreg:$0x0] =	wrdreg $0x0  }
0xa8: {  	s4 =	sshll.u32 s28, $0x1;
	[dreg:$0x2] =	wrdreg s2  }
0xa9: {  	[dreg:$0x3] =	wrdreg s4  }
0xaa: {  	[dreg:$0x4] =	wrdreg $0xC0  }
0xab: {  	_ =	task [dreg:s6], $0x5FFFF  }
0xac: {  	[dreg:$0x1] =	wrdreg $0xFFFFFFFF  }
0xad: {  	[dreg:$0x0] =	wrdreg $0x60  }
0xae: {  	[dreg:$0x2] =	wrdreg s24  }
0xaf: {  	[dreg:$0x3] =	wrdreg $0x2B000  }
0xb0: {  	[dreg:$0x4] =	wrdreg $0x9  }
0xb1: {  	_ =	task.clear_ibuf [dreg:s6], $0x5FFFF;
	_ =	strace $0x90000046  }
0xb2: {  	s29 =	simm.s32 $0x9;
	_ =	strace $0x80000048  }
0xb3: {  	_ =	swait.ge [sflag:s29], $0x1  }
0xb4: {  	[sflag:s29] =	ssyncadd.s32 $0xFFFFFFFF  }
0xb5: {  	_ =	strace $0x90000048  }
0xb6: {  	_ =	sfence  }
0xb7: {  	s30 =	sld [smem:$0x0];
	_ =	sdelay $0x2  }
0xb8: {  	s31 =	sshll.u32 s1, $0xD;
	s1 =	sshrl.u32 s1, $0x2  }
0xb9: {  	s3 =	sand.u32 $0x4000, s31;
	s1 =	sadd.s32 s1, s30  }
0xba: {  	s0 =	sor.u32 s3, s0;
	s1 =	sshll.u32 s1, $0x11  }
0xbb: {  	s0 =	sor.u32 s1, s0  }
0xbc: {  	s0 =	sadd.s32 $0x8F2B, s0  }
0xbd: {  	[sflag:s0] =	ssyncadd.remote.s32 $0x1  }
0xbe: {  	_ =	sfence.sel $0xFFFF  }
0xbf: {  	[dreg:$0x0] =	wrdreg $0xFFFFFFFF;
	(pc) =	sbr.abs _section_cstart, $3  }
0xc0: {  	[dreg:$0x1] =	wrdreg $0xFFFFFFFF  }
0xc1: {  	_ =	task.clear_ibuf [dreg:s6], $0x2FFFF;
	_ =	strace $0x9FFFFFFF  }
0xc2: {  	(tm) =	ssettm $0x7FFFFFFF  }
0xc3: {  	_ =	shalt  }
tec
execute0_lowered:
.L_overlay_start_1:
0x0: {  	(tag) =	ssettag $0x1  }
0x1: {  	s0 =	srdreg.scid;
	s7 =	rddreg [dreg:$0x0]  }
0x2: {  	s2 =	rddreg [dreg:$0x1];
	s3 =	simm.s32 $0x0;
	s13 =	simm.s32 $0x2800  }
0x3: {  	s14 =	simm.s32 $0x80;
	s6 =	sand.u32 $0x1, s0;
	s0 =	stileid.u32  }
0x4: {  	s15 =	simm.s32 $0x0;
	[smem:$0x7FF] =	sst s3;
	s8 =	smul.u32 $0x280, s0  }
0x5: {  	s1 =	sshll.u32 s6, $0x4;
	s5 =	smul.u32 $0x2800, s6;
	s11 =	ssub.s32 $0x2, s6  }
0x6: {  	p0 =	seq.s32 s6, $0x0;
	s6 =	simm.s32 $0x50;
	s1 =	sor.u32 s0, s1  }
0x7: {  	s12 =	sshrl.u32 s11, $0x1;
	s6 =	simm.s32 @!p0 $0x4E;
	s4 =	smul.u32 $0x500, s1  }
0x8: {  	s1 =	rddreg [dreg:$0x2];
	_ =	strace $0x80000047;
	s10 =	sadd.s32 s8, s5  }
0x9: {  	s5 =	sadd.s32 $0xB400, s7;
	s11 =	ssub.s32 s11, s12;
	s12 =	simm.s32 $0x1  }
0xa: {  	s10 =	sshrl.u32 s10, $0x3;
	s9 =	sadd.s32 s4, s7;
	s4 =	sadd.s32 $0xB600, s7  }
0xb: {  	s10 =	sadd.s32 s10, s7;
	s7 =	sadd.s32 s8, s2;
	s8 =	sadd.s32 $0x1400, s9  }
0xc: {  	s9 =	sadd.s32 $0xB800, s10;
	s10 =	smax.u32 s11, $0x1;
	s11 =	simm.s32 $0x2880  }
.LBB2_1:
0xd: {  	[tilespmem:s11], [sflag:$0x1] =	stream.linear.gather [hbm4b:s5+s3], $0x280, $0x38;
	[tilespmem:$0x2D80] =	vst v63  }
0xe: {  	_ =	swait.ge [sflag:s12], $0x280  }
0xf: {  	[sflag:s12] =	ssyncset.done $0x0  }
0x10: {  	[sflag:s12] =	ssyncadd.s32 $0xFFFFFD80  }
0x11: {  	[spmem:s7] =	stream.linear.scatter [tilespmem:s11], [sflag:$0x1], $0x280, $0x38;
	[tilespmem:$0x2D80] =	vst v63  }
0x12: {  	_ =	swait.ge [sflag:s12], $0x280  }
0x13: {  	[sflag:s12] =	ssyncset.done $0x0  }
0x14: {  	[sflag:s12] =	ssyncadd.s32 $0xFFFFFD80  }
0x15: {  	[tilespmem:s3], [sflag:$0x1] =	stream.linear.gather [hbm4b:s8+s3], $0x2800, $0x38;
	[tilespmem:$0x2D80] =	vst v63  }
0x16: {  	_ =	swait.ge [sflag:s12], $0x2800  }
0x17: {  	[sflag:s12] =	ssyncset.done $0x0  }
0x18: {  	[sflag:s12] =	ssyncadd.s32 $0xFFFFD800  }
0x19: {  	[tilespmem:s13], [sflag:$0x1] =	stream.linear.gather [hbm4b:s4+s3], $0x80, $0x38;
	[tilespmem:$0x2D80] =	vst v63  }
0x1a: {  	_ =	swait.ge [sflag:s12], $0x80  }
0x1b: {  	p0 =	sne.s32 s6, $0x1;
	[sflag:s12] =	ssyncset.done $0x0  }
.Ltmp0:
0x1c: {  	[sflag:s12] =	ssyncadd.s32 $0xFFFFFF80;
	(pc) =	sbr.rel @!p0 .LBB2_3-.Ltmp0, $4  }
0x1d: {  	[bflag:$0x0] =	sbarrier.arrive $0xFFFF  }
0x1e: {  	[spmem:s2] =	stream.indirect.scatter.add.f32 [tilespmem:s13], [sflag:$0x1], $0x1, s3, s14, $0xb8;
	[tilespmem:$0x2D80] =	vst v63  }
0x1f: {  	_ =	swait.ge [sflag:s12], $0x80  }
0x20: {  	s16 =	sadd.s32 $0xFFFFFFFF, s6;
	s17 =	simm.s32 $0x0;
	[sflag:s12] =	ssyncset.done $0x0  }
.LBB2_2:
0x21: {  	p0 =	sne.s32 s16, $0x1;
	[sflag:s12] =	ssyncadd.s32 $0xFFFFFF80;
	s17 =	sadd.s32 $0x80, s17  }
.Ltmp1:
0x22: {  	s16 =	sadd.s32 $0xFFFFFFFF, s16;
	(pc) =	sbr.rel @p0 .LBB2_2-.Ltmp1, $4  }
0x23: {  	_ = 	snop  }
0x24: {  	[spmem:s2] =	stream.indirect.scatter.add.f32 [tilespmem:s13], [sflag:$0x1], $0x1, s17, s14, $0xb8;
	[tilespmem:$0x2D80] =	vst v63  }
0x25: {  	_ =	swait.ge [sflag:s12], $0x80  }
0x26: {  	[sflag:s12] =	ssyncset.done $0x0  }
.LBB2_3:
0x27: {  	[sflag:s12] =	ssyncadd.s32 $0xFFFFFF80  }
0x28: {  	[bflag:$0x0] =	sbarrier.arrive $0xFFFF  }
0x29: {  	[tilespmem:s11], [sflag:$0x1] =	stream.linear.gather [spmem:s7], $0x280, $0x38;
	[tilespmem:$0x2D80] =	vst v63  }
0x2a: {  	s15 =	sadd.s32 $0x1, s15;
	_ =	swait.ge [sflag:s12], $0x280  }
0x2b: {  	p0 =	sne.s32 s15, s10;
	[sflag:s12] =	ssyncset.done $0x0  }
.Ltmp2:
0x2c: {  	[sflag:s12] =	ssyncadd.s32 $0xFFFFFD80;
	(pc) =	sbr.rel @p0 .LBB2_1-.Ltmp2, $4  }
0x2d: {  	[hbm4b:s9+s3] =	stream.linear.scatter [tilespmem:s11], [sflag:$0x1], $0x280, $0x38;
	[tilespmem:$0x2D80] =	vst v63  }
0x2e: {  	_ =	swait.ge [sflag:s12], $0x280  }
0x2f: {  	[sflag:s12] =	ssyncset.done $0x0  }
0x30: {  	[sflag:s12] =	ssyncadd.s32 $0xFFFFFD80  }
0x31: {  	_ =	sfence.sel $0x180000  }
0x32: {  	[bflag:$0x0] =	sbarrier.arrive $0xFFFF  }
0x33: {  	p0 =	sne.s32 s0, $0x0;
	_ =	strace $0x90000047  }
0x34: {  	s0 =	sadd.s32 @!p0 $0x100000, s1;
	[bflag:$0x2] =	sbarrier.arrive $0xFFFF  }
0x35: {  	[sflag:s0] =	ssyncadd.tile.s32 @!p0 $0x1;
	_ =	shalt  }
.Lfunc_end2:
_tile_overlayer_lowered:
.L_overlay_start_2:
0x36: {  	(tag) =	ssettag $0x2  }
0x37: {  	s0 =	rddreg [dreg:$0x0];
	s2 =	stileid.u32  }
0x38: {  	s1 =	rddreg [dreg:$0x1];
	p0 =	sne.s32 s2, $0x0  }
0x39: {  	s3 =	rddreg [dreg:$0x2];
	[bflag:$0x3] =	sbarrier.arrive $0xFFFF;
	s2 =	simm.s32 @!p0 $0x1C01  }
0x3a: {  	[timem:s3], [sflag:s2] =	dma.local @!p0 [hbm:s0], s1  }
0x3b: {  	s0 =	simm.s32 @!p0 $0x1  }
0x3c: {  	_ =	swait.ge @!p0 [sflag:s0], s1  }
0x3d: {  	s1 =	ssub.s32 @!p0 $0x0, s1;
	[sflag:s0] =	ssyncset.done @!p0 $0x0  }
0x3e: {  	[sflag:s0] =	ssyncadd.s32 @!p0 s1  }
0x3f: {  	[bflag:$0x3] =	sbarrier.arrive $0xFFFF  }
0x40: {  	_ =	shalt  }

// kernel: kernel.9.cloned.1.call-start
scs
__scs_entry_jumppad:
0x0: {  	(pc) =	sbr.rel $0x88, $3  }
0x1: {  	(tag) =	ssettag $0x0;
	lr =	simm.s32 $0x1  }
0x2: {  	[smem:$0x3F9D] =	sst lr;
	_ =	strace $0xD0000000  }
0x3: {  	_ = 	snop  }
0x4: {  	_ = 	snop  }
0x5: {  	_ = 	snop  }
0x6: {  	_ = 	snop  }
0x7: {  	_ = 	snop  }
__scs_overlays_trampoline_lowered:
0x8: {  	[smem:$0x3FAC] =	sst s0  }
0x9: {  	[smem:$0x3FAD] =	sst s1  }
0xa: {  	[smem:$0x3FAE] =	sst s2  }
0xb: {  	[smem:$0x3FAF] =	sst s3  }
0xc: {  	[smem:$0x3FB0] =	sst s4  }
0xd: {  	[smem:$0x3FB1] =	sst s5  }
0xe: {  	[smem:$0x3FB2] =	sst s6  }
0xf: {  	[smem:$0x3FB3] =	sst s7  }
0x10: {  	[smem:$0x3FB4] =	sst s8  }
0x11: {  	[smem:$0x3FB5] =	sst s9;
	s0 =	simm.s32 @!p0 $0x0  }
0x12: {  	s1 =	sld [smem:$0x3F9B];
	s0 =	simm.s32 @p0 $0x1  }
0x13: {  	[smem:$0x3FB6] =	sst s0;
	s0 =	simm.s32 @!p1 $0x0  }
0x14: {  	s2 =	sld [smem:$0x3F9A];
	s0 =	simm.s32 @p1 $0x1  }
0x15: {  	[smem:$0x3FB7] =	sst s0;
	s0 =	simm.s32 @!p2 $0x0  }
0x16: {  	s3 =	sld [smem:$0x3FDB];
	s0 =	simm.s32 @p2 $0x1  }
0x17: {  	s4 =	simm.s32 $0x1BF5;
	[smem:$0x3FB9] =	sst s0  }
0x18: {  	s0 =	sld [smem:$0x3F9C];
	_ =	swait.ge [sflag:s4], $0x0  }
0x19: {  	s7 =	sld [smem:$0x3F9D]  }
0x1a: {  	s8 =	sadd.s32 $0xFFFFE003, lr  }
0x1b: {  	s9 =	sadd.s32 $0xFFFFFEF7, lr;
	s5 =	simm.s32 $0xFFFFFFFF;
	p2 =	slt.u32 s8, $0xFFFFF086  }
0x1c: {  	p1 =	slt.u32 s9, $0xF7A;
	s5 =	simm.s32 @!p2 $0x0  }
0x1d: {  	s5 =	simm.s32 @p1 $0x1;
	p0 =	seq.s32 s7, s2  }
0x1e: {  	s7 =	smul.u32 @!p0 $0xF7A, s2;
	p2 =	seq.s32 @!p0 s5, $0x0  }
0x1f: {  	s9 =	smul.u32 $0xF7A, s1;
	s8 =	simm.s32 @!p0 $0x1BF5;
	p2 =	por !p2, p0  }
0x20: {  	[sflag:s8] =	ssyncset.s32 @!p0 $0xFFFFF086;
	s6 =	sadd.s32 @!p0 s3, s7;
	s7 =	simm.s32 @!p0 $0x108  }
0x21: {  	s3 =	sadd.s32 s3, s9;
	s6 =	sadd.s32 @!p0 $0x88, s6;
	s7 =	simm.s32 @p2 $0x1082  }
0x22: {  	[simem:s7], [sflag:s8] =	dma.local @!p0 [hbm:s6], $0xF7A  }
0x23: {  	s9 =	sor.u32 $0xD0000000, s2;
	s6 =	simm.s32 $0x108;
	_ =	swait.ge @!p0 [sflag:s8], $0x0  }
0x24: {  	s3 =	sadd.s32 $0x88, s3;
	s6 =	simm.s32 @!p1 $0x1082;
	[sflag:s4] =	ssyncset.s32 $0xFFFFF086  }
0x25: {  	[simem:s6], [sflag:s4] =	dma.local [hbm:s3], $0xF7A  }
0x26: {  	[smem:$0x3F9D] =	sst s1;
	(tag) =	ssettag s2;
	_ =	strace s9  }
0x27: {  	s1 =	sld [smem:$0x3FAD]  }
0x28: {  	s2 =	sld [smem:$0x3FAE]  }
0x29: {  	s4 =	sld [smem:$0x3FB0]  }
0x2a: {  	p0 =	seq.s32 s5, $0x0;
	s5 =	sld [smem:$0x3FB1]  }
0x2b: {  	s6 =	sld [smem:$0x3FB2]  }
0x2c: {  	s7 =	sld [smem:$0x3FB3]  }
0x2d: {  	s3 =	simm.s32 $0x108;
	s8 =	sld [smem:$0x3FB4]  }
0x2e: {  	s3 =	simm.s32 @!p0 $0x1082;
	s9 =	sld [smem:$0x3FB5]  }
0x2f: {  	lr =	sadd.s32 s0, s3;
	s0 =	sld [smem:$0x3FAC]  }
0x30: {  	s3 =	sld [smem:$0x3FAF]  }
0x31: {  	[smem:$0x3FB8] =	sst s10  }
0x32: {  	s10 =	sld [smem:$0x3FB6];
	_ =	sdelay $0x3  }
0x33: {  	p0 =	seq.s32 s10, $0x1;
	s10 =	sld [smem:$0x3FB8];
	_ =	sdelay $0x3  }
0x34: {  	[smem:$0x3FB8] =	sst s10  }
0x35: {  	s10 =	sld [smem:$0x3FB7];
	_ =	sdelay $0x3  }
0x36: {  	p1 =	seq.s32 s10, $0x1;
	s10 =	sld [smem:$0x3FB8];
	_ =	sdelay $0x3  }
0x37: {  	[smem:$0x3FB8] =	sst s10  }
0x38: {  	s10 =	sld [smem:$0x3FB9]  }
0x39: {  	_ = 	snop;
	(pc) =	sbr.ind lr, $3  }
0x3a: {  	_ = 	snop  }
0x3b: {  	_ = 	snop  }
0x3c: {  	p2 =	seq.s32 s10, $0x1;
	s10 =	sld [smem:$0x3FB8]  }
0x3d: {  	_ =	shalt  }
0x3e: {  	_ =	shalt  }
0x3f: {  	_ =	shalt  }
0x40: {  	_ =	shalt  }
0x41: {  	_ =	shalt  }
0x42: {  	_ =	shalt  }
0x43: {  	_ =	shalt  }
0x44: {  	_ =	shalt  }
0x45: {  	_ =	shalt  }
0x46: {  	_ =	shalt  }
0x47: {  	_ =	shalt  }
0x48: {  	_ =	shalt  }
0x49: {  	_ =	shalt  }
0x4a: {  	_ =	shalt  }
0x4b: {  	_ =	shalt  }
0x4c: {  	_ =	shalt  }
0x4d: {  	_ =	shalt  }
0x4e: {  	_ =	shalt  }
0x4f: {  	_ =	shalt  }
0x50: {  	_ =	shalt  }
0x51: {  	_ =	shalt  }
0x52: {  	_ =	shalt  }
0x53: {  	_ =	shalt  }
0x54: {  	_ =	shalt  }
0x55: {  	_ =	shalt  }
0x56: {  	_ =	shalt  }
0x57: {  	_ =	shalt  }
0x58: {  	_ =	shalt  }
0x59: {  	_ =	shalt  }
0x5a: {  	_ =	shalt  }
0x5b: {  	_ =	shalt  }
0x5c: {  	_ =	shalt  }
0x5d: {  	_ =	shalt  }
0x5e: {  	_ =	shalt  }
0x5f: {  	_ =	shalt  }
0x60: {  	_ =	shalt  }
0x61: {  	_ =	shalt  }
0x62: {  	_ =	shalt  }
0x63: {  	_ =	shalt  }
0x64: {  	_ =	shalt  }
0x65: {  	_ =	shalt  }
0x66: {  	_ =	shalt  }
0x67: {  	_ =	shalt  }
0x68: {  	_ =	shalt  }
0x69: {  	_ =	shalt  }
0x6a: {  	_ =	shalt  }
0x6b: {  	_ =	shalt  }
0x6c: {  	_ =	shalt  }
0x6d: {  	_ =	shalt  }
0x6e: {  	_ =	shalt  }
0x6f: {  	_ =	shalt  }
0x70: {  	_ =	shalt  }
0x71: {  	_ =	shalt  }
0x72: {  	_ =	shalt  }
0x73: {  	_ =	shalt  }
0x74: {  	_ =	shalt  }
0x75: {  	_ =	shalt  }
0x76: {  	_ =	shalt  }
0x77: {  	_ =	shalt  }
0x78: {  	_ =	shalt  }
0x79: {  	_ =	shalt  }
0x7a: {  	_ =	shalt  }
0x7b: {  	_ =	shalt  }
0x7c: {  	_ =	shalt  }
0x7d: {  	_ =	shalt  }
0x7e: {  	_ =	shalt  }
0x7f: {  	_ =	shalt  }
0x80: {  	_ =	shalt  }
0x81: {  	_ =	shalt  }
0x82: {  	_ =	shalt  }
0x83: {  	_ =	shalt  }
0x84: {  	_ =	shalt  }
0x85: {  	_ =	shalt  }
0x86: {  	_ =	shalt  }
0x87: {  	_ =	shalt  }
.Lfunc_end0:
.L_simem_size_0:
called_computation.1_lowered:
.L_overlay_start_0:
0x88: {  	s2 =	sld [smem:$0x3FD9]  }
0x89: {  	s3 =	sld [smem:$0x3FFE];
	_ =	sdelay $0x1  }
0x8a: {  	s1 =	srdreg.scid  }
0x8b: {  	s0 =	sand.u32 $0x1, s1  }
0x8c: {  	s17 =	sshll.u32 s0, $0xA;
	s2 =	sadd.s32 s3, s2  }
0x8d: {  	s2 =	sadd.s32 s2, s17  }
0x8e: {  	[smem:$0x3FC4] =	sst s2  }
0x8f: {  	_ = 	snop  }
0x90: {  	s2 =	sld [smem:$0x3FD0];
	(tm) =	ssettm $0x1  }
0x91: {  	s18 =	sld [smem:$0x3FFB];
	_ =	sdelay $0x3  }
0x92: {  	_ =	strace s18  }
0x93: {  	s3 =	sld [smem:$0x3FFC];
	_ =	sdelay $0x3  }
0x94: {  	_ =	strace s3  }
0x95: {  	s3 =	sld [smem:$0x3FFD];
	_ =	sdelay $0x3  }
0x96: {  	_ =	strace s3  }
0x97: {  	_ =	strace $0x8FFFFFFF  }
0x98: {  	s19 =	sld [smem:$0x3FDB];
	_ =	sdelay $0x1  }
0x99: {  	s4 =	simm.s32 $_scs_section_size  }
0x9a: {  	s5 =	simm.s32 $_size__tile_overlayer_lowered;
	s6 =	simm.s32 $_tile_overlayer_lowered  }
0x9b: {  	s22 =	simm.s32 $0x1BFF;
	s21 =	sshll.u32 s6, $0x1;
	s3 =	sadd.s32 s4, s19  }
0x9c: {  	s7 =	simm.s32 $0x0;
	s20 =	sshll.u32 s5, $0x1;
	s5 =	sadd.s32 s21, s3  }
0x9d: {  	[timem:s7], [sflag:s22] =	dma.local [hbm:s5], s20  }
0x9e: {  	_ =	swait.ge [sflag:s22], s20  }
0x9f: {  	s4 =	ssub.s32 $0x0, s20;
	[sflag:s22] =	ssyncset.done $0x0  }
0xa0: {  	[sflag:s22] =	ssyncadd.s32 s4;
	_ =	sdelay $0x1  }
0xa1: {  	s23 =	simm.s32 $0x1B8B  }
0xa2: {  	_ =	swait.ge [sflag:s23], $0x1  }
0xa3: {  	[sflag:s23] =	ssyncset.done $0x0  }
0xa4: {  	s25 =	simm.s32 $0x1B8E;
	s24 =	sld [smem:$0x3FFE];
	[sflag:s23] =	ssyncadd.s32 $0xFFFFFFFF  }
0xa5: {  	s26 =	simm.s32 $execute0_lowered;
	[smem:$0x3FD2] =	sst s25  }
0xa6: {  	s5 =	sshll.u32 s26, $0x1;
	_ =	strace $0x80000049;
	[dreg:$0x1] =	wrdreg $0xFFFFFFFF  }
0xa7: {  	s28 =	simm.s32 $_size_execute0_lowered;
	s3 =	sadd.s32 s3, s5;
	[dreg:$0x0] =	wrdreg $0x0  }
0xa8: {  	s5 =	sshll.u32 s28, $0x1;
	[dreg:$0x2] =	wrdreg s3  }
0xa9: {  	[dreg:$0x3] =	wrdreg s5  }
0xaa: {  	[dreg:$0x4] =	wrdreg $0xC0  }
0xab: {  	_ =	task [dreg:s7], $0x5FFFF  }
0xac: {  	[dreg:$0x1] =	wrdreg $0xFFFFFFFF  }
0xad: {  	[dreg:$0x0] =	wrdreg $0x60  }
0xae: {  	[dreg:$0x2] =	wrdreg s24  }
0xaf: {  	[dreg:$0x3] =	wrdreg s2  }
0xb0: {  	[dreg:$0x4] =	wrdreg $0x82000  }
0xb1: {  	[dreg:$0x5] =	wrdreg $0x9  }
0xb2: {  	_ =	task.clear_ibuf [dreg:s7], $0x6FFFF;
	_ =	strace $0x90000049  }
0xb3: {  	s29 =	simm.s32 $0x9;
	_ =	strace $0x8000004B  }
0xb4: {  	_ =	swait.ge [sflag:s29], $0x1  }
0xb5: {  	[sflag:s29] =	ssyncadd.s32 $0xFFFFFFFF  }
0xb6: {  	_ =	strace $0x9000004B  }
0xb7: {  	_ =	sfence  }
0xb8: {  	s30 =	sld [smem:$0x0];
	_ =	sdelay $0x2  }
0xb9: {  	s31 =	sshll.u32 s1, $0xD;
	s1 =	sshrl.u32 s1, $0x2  }
0xba: {  	s3 =	sand.u32 $0x4000, s31;
	s1 =	sadd.s32 s1, s30  }
0xbb: {  	s0 =	sor.u32 s3, s0;
	s1 =	sshll.u32 s1, $0x11  }
0xbc: {  	s0 =	sor.u32 s1, s0  }
0xbd: {  	s0 =	sadd.s32 $0x8F2B, s0  }
0xbe: {  	[sflag:s0] =	ssyncadd.remote.s32 $0x1  }
0xbf: {  	_ =	sfence.sel $0xFFFF  }
0xc0: {  	[dreg:$0x0] =	wrdreg $0xFFFFFFFF;
	(pc) =	sbr.abs _section_cstart, $3  }
0xc1: {  	[dreg:$0x1] =	wrdreg $0xFFFFFFFF  }
0xc2: {  	_ =	task.clear_ibuf [dreg:s7], $0x2FFFF;
	_ =	strace $0x9FFFFFFF  }
0xc3: {  	(tm) =	ssettm $0x7FFFFFFF  }
tec
execute0_lowered:
.L_overlay_start_1:
0x0: {  	(tag) =	ssettag $0x1  }
0x1: {  	s0 =	rddreg [dreg:$0x0]  }
0x2: {  	s2 =	rddreg [dreg:$0x1]  }
0x3: {  	s3 =	rddreg [dreg:$0x2];
	s1 =	srdreg.scid  }
0x4: {  	s10 =	stileid.u32;
	s4 =	simm.s32 $0x0;
	s1 =	sand.u32 $0x1, s1  }
0x5: {  	s7 =	smul.u32 $0x280, s10;
	[smem:$0x7FF] =	sst s4;
	s5 =	sadd.s32 $0xB400, s0  }
0x6: {  	s6 =	sadd.s32 $0x1400, s0;
	s21 =	sadd.s32 $0x33400, s0;
	s8 =	smul.u32 $0x2800, s1  }
0x7: {  	_ =	strace $0x8000004A;
	[dreg:$0x5] =	wrdreg s21;
	s22 =	sshll.u32 s1, $0x4  }
0x8: {  	s9 =	ssub.s32 $0x2, s1;
	p0 =	seq.s32 s1, $0x0;
	s1 =	simm.s32 $0x200  }
0x9: {  	s7 =	sadd.s32 s7, s8;
	s8 =	sor.u32 s10, s22;
	s10 =	smul.u32 $0x50000, s10  }
0xa: {  	s23 =	sshrl.u32 s9, $0x1;
	s7 =	sshll.u32 s7, $0x4;
	s8 =	smul.u32 $0x2800, s8  }
0xb: {  	s0 =	sadd.s32 s7, s0;
	s7 =	ssub.s32 s9, s23;
	s24 =	sshrl.u32 s10, $0x2  }
0xc: {  	s9 =	simm.s32 $0x50;
	s10 =	sadd.s32 s24, s3;
	s25 =	sshrl.u32 s8, $0x3  }
0xd: {  	s9 =	simm.s32 @!p0 $0x4E;
	s14 =	sadd.s32 $0x33C00, s0;
	s15 =	sadd.s32 $0x34400, s0  }
0xe: {  	s16 =	sadd.s32 $0x34C00, s0;
	s17 =	sadd.s32 $0x35400, s0;
	[dreg:$0xa] =	wrdreg s14  }
0xf: {  	s0 =	sadd.s32 $0x35C00, s0;
	s19 =	smax.u32 s7, $0x1;
	[dreg:$0xb] =	wrdreg s15  }
0x10: {  	s7 =	simm.s32 $0x7;
	s11 =	sadd.s32 $0x4000, s10;
	[dreg:$0xc] =	wrdreg s16  }
0x11: {  	s12 =	sor.u32 $0x10, s25;
	s13 =	sadd.s32 s2, s25;
	[dreg:$0xd] =	wrdreg s17  }
0x12: {  	s26 =	sadd.s32 s6, s25;
	s18 =	sadd.s32 $0x4E0, s25;
	[dreg:$0xe] =	wrdreg s0  }
0x13: {  	[dreg:$0xf] =	wrdreg s19;
	s22 =	sadd.s32 $0x4F0, s25;
	s23 =	sshll.u32 s9, $0x7  }
0x14: {  	s28 =	sadd.s32 $0xC000, s10;
	s29 =	sadd.s32 $0x10000, s10;
	[dreg:$0x6] =	wrdreg s13  }
0x15: {  	s30 =	sadd.s32 $0xFFFFFFFF, s9;
	s25 =	sadd.s32 $0xFFFFFFFE, s9;
	[dreg:$0x7] =	wrdreg s26  }
0x16: {  	s14 =	simm.s32 $0x1;
	s15 =	simm.s32 $0x5;
	[dreg:$0x4] =	wrdreg s23  }
0x17: {  	s16 =	simm.s32 $0x3;
	s31 =	sadd.s32 s2, s12;
	[dreg:$0x14] =	wrdreg s25  }
0x18: {  	s17 =	simm.s32 $0x100;
	s12 =	sadd.s32 s6, s12;
	[dreg:$0x8] =	wrdreg s31  }
0x19: {  	s19 =	simm.s32 $0x4;
	s20 =	sadd.s32 s2, s18;
	[dreg:$0x9] =	wrdreg s12  }
0x1a: {  	s21 =	sadd.s32 s6, s18;
	s24 =	sadd.s32 s2, s22;
	[dreg:$0x10] =	wrdreg s20  }
0x1b: {  	s0 =	sadd.s32 s6, s22;
	s26 =	sadd.s32 $0x8000, s10;
	[dreg:$0x11] =	wrdreg s21  }
0x1c: {  	s13 =	simm.s32 $0x180;
	s18 =	simm.s32 $0x6;
	[dreg:$0x12] =	wrdreg s24  }
0x1d: {  	[dreg:$0x13] =	wrdreg s0;
	s31 =	sadd.s32 $0xFFFFFFFD, s9;
	s12 =	simm.s32 $0x80  }
0x1e: {  	s20 =	simm.s32 $0x4200;
	s21 =	simm.s32 $0x0;
	[dreg:$0x15] =	wrdreg s31  }
.LBB2_1:
0x1f: {  	s0 =	rddreg [dreg:$0x5]  }
0x20: {  	[tilespmem:s1], [sflag:$0x7] =	stream.linear.gather [hbm4b:s0+s4], $0x4000, $0x38;
	[tilespmem:$0x1C200] =	vst v63  }
0x21: {  	_ =	swait.ge [sflag:s7], $0x4000  }
0x22: {  	[sflag:s7] =	ssyncset.done $0x0  }
0x23: {  	[sflag:s7] =	ssyncadd.s32 $0xFFFFC000  }
0x24: {  	[spmem:s10] =	stream.linear.scatter [tilespmem:s1], [sflag:$0x7], $0x4000, $0x38;
	[tilespmem:$0x1C200] =	vst v63  }
0x25: {  	_ =	swait.ge [sflag:s7], $0x4000  }
0x26: {  	[sflag:s7] =	ssyncset.done $0x0  }
0x27: {  	[sflag:s7] =	ssyncadd.s32 $0xFFFFC000  }
0x28: {  	[spmem:s11] =	stream.linear.scatter [tilespmem:s1], [sflag:$0x7], $0x4000, $0x38;
	[tilespmem:$0x1C200] =	vst v63  }
0x29: {  	_ =	swait.ge [sflag:s7], $0x4000  }
0x2a: {  	[sflag:s7] =	ssyncset.done $0x0  }
0x2b: {  	[sflag:s7] =	ssyncadd.s32 $0xFFFFC000  }
0x2c: {  	[spmem:s26] =	stream.linear.scatter [tilespmem:s1], [sflag:$0x7], $0x4000, $0x38;
	[tilespmem:$0x1C200] =	vst v63  }
0x2d: {  	_ =	swait.ge [sflag:s7], $0x4000  }
0x2e: {  	[sflag:s7] =	ssyncset.done $0x0  }
0x2f: {  	[sflag:s7] =	ssyncadd.s32 $0xFFFFC000  }
0x30: {  	[spmem:s28] =	stream.linear.scatter [tilespmem:s1], [sflag:$0x7], $0x4000, $0x38;
	[tilespmem:$0x1C200] =	vst v63  }
0x31: {  	_ =	swait.ge [sflag:s7], $0x4000  }
0x32: {  	[sflag:s7] =	ssyncset.done $0x0  }
0x33: {  	[sflag:s7] =	ssyncadd.s32 $0xFFFFC000  }
0x34: {  	[spmem:s29] =	stream.linear.scatter [tilespmem:s1], [sflag:$0x7], $0x4000, $0x38;
	[tilespmem:$0x1C200] =	vst v63  }
0x35: {  	_ =	swait.ge [sflag:s7], $0x4000  }
0x36: {  	[sflag:s7] =	ssyncset.done $0x0  }
0x37: {  	[sflag:s7] =	ssyncadd.s32 $0xFFFFC000  }
0x38: {  	[bflag:$0x0] =	sbarrier.arrive $0xFFFF  }
0x39: {  	s23 =	rddreg [dreg:$0x6]  }
0x3a: {  	[tilespmem:s4], [sflag:$0x1] =	stream.linear.gather [hbm4b:s23+s4], $0x80, $0x38;
	[tilespmem:$0x1C200] =	vst v63  }
0x3b: {  	s24 =	rddreg [dreg:$0x7]  }
0x3c: {  	[tilespmem:s17], [sflag:$0x3] =	stream.linear.gather [hbm4b:s24+s4], $0x80, $0x38;
	[tilespmem:$0x1C200] =	vst v63  }
0x3d: {  	s25 =	rddreg [dreg:$0x8]  }
0x3e: {  	[tilespmem:s12], [sflag:$0x2] =	stream.linear.gather [hbm4b:s25+s4], $0x80, $0x38;
	[tilespmem:$0x1C200] =	vst v63  }
0x3f: {  	s31 =	rddreg [dreg:$0x9]  }
0x40: {  	[tilespmem:s13], [sflag:$0x4] =	stream.linear.gather [hbm4b:s31+s4], $0x80, $0x38;
	[tilespmem:$0x1C200] =	vst v63  }
0x41: {  	_ =	swait.ge [sflag:s14], $0x80  }
0x42: {  	[sflag:s14] =	ssyncset.done $0x0  }
0x43: {  	s23 =	simm.s32 $0x100;
	s24 =	simm.s32 $0x0;
	[sflag:s14] =	ssyncadd.s32 $0xFFFFFF80  }
0x44: {  	[tilespmem:s1], [sflag:$0x5] =	stream.indirect.gather [hbm4b:s5+s12], $0x80, s4, s12, $0xb8;
	[tilespmem:$0x1C200] =	vst v63  }
.LBB2_2:
0x45: {  	p0 =	sge.u32 s24, s30  }
0x46: {  	s22 =	smov.u32 s24;
	s24 =	simm.s32 @!p0 $0x2  }
0x47: {  	_ =	swait.ge @!p0 [sflag:s24], $0x80  }
0x48: {  	[sflag:s24] =	ssyncset.done @!p0 $0x0  }
0x49: {  	s25 =	simm.s32 @!p0 $0x4200;
	[sflag:s24] =	ssyncadd.s32 @!p0 $0xFFFFFF80;
	s24 =	simm.s32 @!p0 $0x80  }
0x4a: {  	[tilespmem:s25], [sflag:$0x6] =	stream.indirect.gather @!p0 [hbm4b:s5+s24], $0x80, s24, s24, $0xb8;
	[tilespmem:$0x1C200] =	vst v63  }
0x4b: {  	_ =	swait.ge [sflag:s15], $0x4000  }
0x4c: {  	[sflag:s15] =	ssyncset.done $0x0  }
0x4d: {  	s24 =	sadd.s32 $0x2, s22;
	[sflag:s15] =	ssyncadd.s32 $0xFFFFC000  }
0x4e: {  	p0 =	sge.u32 s24, s9;
	_ =	swait.ge [sflag:s16], $0x80  }
0x4f: {  	s25 =	sand.u32 @!p0 $0x7FFFFC00, s23;
	[sflag:s16] =	ssyncset.done $0x0  }
0x50: {  	s31 =	sand.u32 @!p0 $0x300, s23;
	s25 =	sadd.s32 @!p0 s8, s25;
	[sflag:s16] =	ssyncadd.s32 $0xFFFFFF80  }
0x51: {  	[spmem:s3] =	stream.indirect.scatter.add.f32 [tilespmem:s1], [sflag:$0x7], $0x80, s17, s12, $0xb8;
	[tilespmem:$0x1C200] =	vst v63  }
0x52: {  	s25 =	sor.u32 @!p0 s31, s25;
	_ =	swait.ge [sflag:s7], $0x4000  }
0x53: {  	s25 =	sshrl.u32 @!p0 s25, $0x3;
	[sflag:s7] =	ssyncset.done $0x0  }
0x54: {  	s0 =	simm.s32 @!p0 $0x0;
	s31 =	sadd.s32 @!p0 s2, s25;
	[sflag:s7] =	ssyncadd.s32 $0xFFFFC000  }
0x55: {  	[tilespmem:s0], [sflag:$0x1] =	stream.linear.gather @!p0 [hbm4b:s31+s0], $0x80, $0x38;
	[tilespmem:$0x1C200] =	vst v63  }
0x56: {  	s25 =	sadd.s32 @!p0 s6, s25;
	s31 =	simm.s32 @!p0 $0x100  }
0x57: {  	[tilespmem:s31], [sflag:$0x3] =	stream.linear.gather @!p0 [hbm4b:s25+s0], $0x80, $0x38;
	[tilespmem:$0x1C200] =	vst v63  }
0x58: {  	s25 =	simm.s32 @!p0 $0x1  }
0x59: {  	_ =	swait.ge @!p0 [sflag:s25], $0x80  }
0x5a: {  	[sflag:s25] =	ssyncset.done @!p0 $0x0  }
0x5b: {  	s31 =	simm.s32 @!p0 $0x200;
	[sflag:s25] =	ssyncadd.s32 @!p0 $0xFFFFFF80;
	s25 =	simm.s32 @!p0 $0x80  }
0x5c: {  	[tilespmem:s31], [sflag:$0x5] =	stream.indirect.gather @!p0 [hbm4b:s5+s25], $0x80, s0, s25, $0xb8;
	[tilespmem:$0x1C200] =	vst v63  }
0x5d: {  	_ =	swait.ge [sflag:s18], $0x4000  }
0x5e: {  	s31 =	sadd.s32 $0x3, s22;
	[sflag:s18] =	ssyncset.done $0x0  }
0x5f: {  	p0 =	sge.u32 s31, s9;
	[sflag:s18] =	ssyncadd.s32 $0xFFFFC000  }
0x60: {  	s0 =	sadd.s32 @!p0 $0x80, s23;
	_ =	swait.ge [sflag:s19], $0x80  }
0x61: {  	s22 =	sand.u32 @!p0 $0x7FFFFC00, s0;
	[sflag:s19] =	ssyncset.done $0x0  }
0x62: {  	s0 =	sand.u32 @!p0 $0x380, s0;
	s22 =	sadd.s32 @!p0 s8, s22;
	[sflag:s19] =	ssyncadd.s32 $0xFFFFFF80  }
0x63: {  	[spmem:s3] =	stream.indirect.scatter.add.f32 [tilespmem:s20], [sflag:$0x7], $0x80, s13, s12, $0xb8;
	[tilespmem:$0x1C200] =	vst v63  }
0x64: {  	s25 =	simm.s32 @!p0 $0x0;
	s0 =	sor.u32 @!p0 s0, s22;
	_ =	swait.ge [sflag:s7], $0x4000  }
0x65: {  	s31 =	simm.s32 @!p0 $0x80;
	s0 =	sshrl.u32 @!p0 s0, $0x3;
	[sflag:s7] =	ssyncset.done $0x0  }
0x66: {  	s23 =	sadd.s32 $0x100, s23;
	s22 =	sadd.s32 @!p0 s2, s0;
	[sflag:s7] =	ssyncadd.s32 $0xFFFFC000  }
0x67: {  	[tilespmem:s31], [sflag:$0x2] =	stream.linear.gather @!p0 [hbm4b:s22+s25], $0x80, $0x38;
	[tilespmem:$0x1C200] =	vst v63  }
0x68: {  	s0 =	sadd.s32 @!p0 s6, s0;
	s22 =	simm.s32 @!p0 $0x180;
	s31 =	rddreg [dreg:$0x4]  }
0x69: {  	[tilespmem:s22], [sflag:$0x4] =	stream.linear.gather @!p0 [hbm4b:s0+s25], $0x80, $0x38;
	[tilespmem:$0x1C200] =	vst v63  }
0x6a: {  	p0 =	sne.s32 s31, s23  }
.Ltmp0:
0x6b: {  	_ = 	snop;
	(pc) =	sbr.rel @p0 .LBB2_2-.Ltmp0, $1  }
0x6c: {  	_ =	sdelay $0x3  }
0x6d: {  	p0 =	sge.u32 s24, s30  }
0x6e: {  	s0 =	simm.s32 @!p0 $0x2  }
0x6f: {  	_ =	swait.ge @!p0 [sflag:s0], $0x80  }
0x70: {  	[sflag:s0] =	ssyncset.done @!p0 $0x0  }
0x71: {  	s22 =	simm.s32 @!p0 $0x4200;
	[sflag:s0] =	ssyncadd.s32 @!p0 $0xFFFFFF80;
	s0 =	simm.s32 @!p0 $0x80  }
0x72: {  	[tilespmem:s22], [sflag:$0x6] =	stream.indirect.gather @!p0 [hbm4b:s5+s0], $0x80, s0, s0, $0xb8;
	[tilespmem:$0x1C200] =	vst v63  }
0x73: {  	_ =	swait.ge [sflag:s15], $0x4000  }
0x74: {  	[sflag:s15] =	ssyncset.done $0x0  }
0x75: {  	[sflag:s15] =	ssyncadd.s32 $0xFFFFC000  }
0x76: {  	_ =	swait.ge [sflag:s16], $0x80  }
0x77: {  	[sflag:s16] =	ssyncset.done $0x0  }
0x78: {  	[sflag:s16] =	ssyncadd.s32 $0xFFFFFF80  }
0x79: {  	[spmem:s3] =	stream.indirect.scatter.add.f32 [tilespmem:s1], [sflag:$0x7], $0x80, s17, s12, $0xb8;
	[tilespmem:$0x1C200] =	vst v63  }
0x7a: {  	_ =	swait.ge [sflag:s7], $0x4000  }
0x7b: {  	s23 =	rddreg [dreg:$0x14]  }
0x7c: {  	[sflag:s7] =	ssyncset.done $0x0;
	p0 =	sge.u32 s24, s23  }
0x7d: {  	s22 =	rddreg [dreg:$0x10];
	[sflag:s7] =	ssyncadd.s32 $0xFFFFC000;
	s0 =	simm.s32 @!p0 $0x0  }
0x7e: {  	[tilespmem:s0], [sflag:$0x1] =	stream.linear.gather @!p0 [hbm4b:s22+s0], $0x80, $0x38;
	[tilespmem:$0x1C200] =	vst v63  }
0x7f: {  	s23 =	rddreg [dreg:$0x11];
	s22 =	simm.s32 @!p0 $0x100  }
0x80: {  	[tilespmem:s22], [sflag:$0x3] =	stream.linear.gather @!p0 [hbm4b:s23+s0], $0x80, $0x38;
	[tilespmem:$0x1C200] =	vst v63  }
0x81: {  	s22 =	simm.s32 @!p0 $0x1  }
0x82: {  	_ =	swait.ge @!p0 [sflag:s22], $0x80  }
0x83: {  	[sflag:s22] =	ssyncset.done @!p0 $0x0  }
0x84: {  	s23 =	simm.s32 @!p0 $0x200;
	[sflag:s22] =	ssyncadd.s32 @!p0 $0xFFFFFF80;
	s22 =	simm.s32 @!p0 $0x80  }
0x85: {  	[tilespmem:s23], [sflag:$0x5] =	stream.indirect.gather @!p0 [hbm4b:s5+s22], $0x80, s0, s22, $0xb8;
	[tilespmem:$0x1C200] =	vst v63  }
0x86: {  	_ =	swait.ge [sflag:s18], $0x4000  }
0x87: {  	[sflag:s18] =	ssyncset.done $0x0  }
0x88: {  	[sflag:s18] =	ssyncadd.s32 $0xFFFFC000  }
0x89: {  	_ =	swait.ge [sflag:s19], $0x80  }
0x8a: {  	[sflag:s19] =	ssyncset.done $0x0  }
0x8b: {  	[sflag:s19] =	ssyncadd.s32 $0xFFFFFF80  }
0x8c: {  	[spmem:s3] =	stream.indirect.scatter.add.f32 [tilespmem:s20], [sflag:$0x7], $0x80, s13, s12, $0xb8;
	[tilespmem:$0x1C200] =	vst v63  }
0x8d: {  	_ =	swait.ge [sflag:s7], $0x4000  }
0x8e: {  	s25 =	rddreg [dreg:$0x15]  }
0x8f: {  	[sflag:s7] =	ssyncset.done $0x0;
	s23 =	rddreg [dreg:$0x12];
	p0 =	sge.u32 s24, s25  }
0x90: {  	[sflag:s7] =	ssyncadd.s32 $0xFFFFC000;
	s0 =	simm.s32 @!p0 $0x0;
	s22 =	simm.s32 @!p0 $0x80  }
0x91: {  	[tilespmem:s22], [sflag:$0x2] =	stream.linear.gather @!p0 [hbm4b:s23+s0], $0x80, $0x38;
	[tilespmem:$0x1C200] =	vst v63  }
0x92: {  	s22 =	simm.s32 @!p0 $0x180;
	s23 =	rddreg [dreg:$0x13]  }
0x93: {  	[tilespmem:s22], [sflag:$0x4] =	stream.linear.gather @!p0 [hbm4b:s23+s0], $0x80, $0x38;
	[tilespmem:$0x1C200] =	vst v63  }
0x94: {  	[bflag:$0x0] =	sbarrier.arrive $0xFFFF  }
0x95: {  	[tilespmem:s1], [sflag:$0x7] =	stream.linear.gather [spmem:s10], $0x4000, $0x38;
	[tilespmem:$0x1C200] =	vst v63  }
0x96: {  	_ =	swait.ge [sflag:s7], $0x4000  }
0x97: {  	[sflag:s7] =	ssyncset.done $0x0  }
0x98: {  	s31 =	rddreg [dreg:$0xa];
	[sflag:s7] =	ssyncadd.s32 $0xFFFFC000  }
0x99: {  	[hbm4b:s31+s4] =	stream.linear.scatter [tilespmem:s1], [sflag:$0x7], $0x4000, $0x38;
	[tilespmem:$0x1C200] =	vst v63  }
0x9a: {  	_ =	swait.ge [sflag:s7], $0x4000  }
0x9b: {  	[sflag:s7] =	ssyncset.done $0x0  }
0x9c: {  	[sflag:s7] =	ssyncadd.s32 $0xFFFFC000  }
0x9d: {  	[tilespmem:s20], [sflag:$0x7] =	stream.linear.gather [spmem:s11], $0x4000, $0x38;
	[tilespmem:$0x1C200] =	vst v63  }
0x9e: {  	_ =	swait.ge [sflag:s7], $0x4000  }
0x9f: {  	[sflag:s7] =	ssyncset.done $0x0  }
0xa0: {  	s22 =	rddreg [dreg:$0xb];
	[sflag:s7] =	ssyncadd.s32 $0xFFFFC000  }
0xa1: {  	[hbm4b:s22+s4] =	stream.linear.scatter [tilespmem:s20], [sflag:$0x7], $0x4000, $0x38;
	[tilespmem:$0x1C200] =	vst v63  }
0xa2: {  	_ =	swait.ge [sflag:s7], $0x4000  }
0xa3: {  	[sflag:s7] =	ssyncset.done $0x0  }
0xa4: {  	[sflag:s7] =	ssyncadd.s32 $0xFFFFC000  }
0xa5: {  	[tilespmem:s1], [sflag:$0x7] =	stream.linear.gather [spmem:s26], $0x4000, $0x38;
	[tilespmem:$0x1C200] =	vst v63  }
0xa6: {  	_ =	swait.ge [sflag:s7], $0x4000  }
0xa7: {  	[sflag:s7] =	ssyncset.done $0x0  }
0xa8: {  	s23 =	rddreg [dreg:$0xc];
	[sflag:s7] =	ssyncadd.s32 $0xFFFFC000  }
0xa9: {  	[hbm4b:s23+s4] =	stream.linear.scatter [tilespmem:s1], [sflag:$0x7], $0x4000, $0x38;
	[tilespmem:$0x1C200] =	vst v63  }
0xaa: {  	_ =	swait.ge [sflag:s7], $0x4000  }
0xab: {  	[sflag:s7] =	ssyncset.done $0x0  }
0xac: {  	[sflag:s7] =	ssyncadd.s32 $0xFFFFC000  }
0xad: {  	[tilespmem:s20], [sflag:$0x7] =	stream.linear.gather [spmem:s28], $0x4000, $0x38;
	[tilespmem:$0x1C200] =	vst v63  }
0xae: {  	_ =	swait.ge [sflag:s7], $0x4000  }
0xaf: {  	[sflag:s7] =	ssyncset.done $0x0  }
0xb0: {  	s24 =	rddreg [dreg:$0xd];
	[sflag:s7] =	ssyncadd.s32 $0xFFFFC000  }
0xb1: {  	[hbm4b:s24+s4] =	stream.linear.scatter [tilespmem:s20], [sflag:$0x7], $0x4000, $0x38;
	[tilespmem:$0x1C200] =	vst v63  }
0xb2: {  	_ =	swait.ge [sflag:s7], $0x4000  }
0xb3: {  	[sflag:s7] =	ssyncset.done $0x0  }
0xb4: {  	[sflag:s7] =	ssyncadd.s32 $0xFFFFC000  }
0xb5: {  	[tilespmem:s1], [sflag:$0x7] =	stream.linear.gather [spmem:s29], $0x4000, $0x38;
	[tilespmem:$0x1C200] =	vst v63  }
0xb6: {  	_ =	swait.ge [sflag:s7], $0x4000  }
0xb7: {  	[sflag:s7] =	ssyncset.done $0x0  }
0xb8: {  	s25 =	rddreg [dreg:$0xe];
	[sflag:s7] =	ssyncadd.s32 $0xFFFFC000  }
0xb9: {  	[hbm4b:s25+s4] =	stream.linear.scatter [tilespmem:s1], [sflag:$0x7], $0x4000, $0x38;
	[tilespmem:$0x1C200] =	vst v63  }
0xba: {  	_ =	swait.ge [sflag:s7], $0x4000  }
0xbb: {  	s21 =	sadd.s32 $0x1, s21;
	s31 =	rddreg [dreg:$0xf]  }
0xbc: {  	p0 =	sne.s32 s21, s31  }
.Ltmp1:
0xbd: {  	_ = 	snop;
	(pc) =	sbr.rel @p0 .LBB2_1-.Ltmp1, $3  }
0xbe: {  	_ =	sdelay $0x1  }
0xbf: {  	[sflag:s7] =	ssyncset.done $0x0  }
0xc0: {  	[sflag:s7] =	ssyncadd.s32 $0xFFFFC000  }
0xc1: {  	_ =	sfence.sel $0x180000  }
0xc2: {  	[bflag:$0x0] =	sbarrier.arrive $0xFFFF  }
0xc3: {  	_ =	strace $0x9000004A  }
0xc4: {  	s0 =	stileid.u32;
	[bflag:$0x2] =	sbarrier.arrive $0xFFFF  }
0xc5: {  	p0 =	sne.s32 s0, $0x0;
	s0 =	rddreg [dreg:$0x3]  }
0xc6: {  	s0 =	sadd.s32 @!p0 $0x100000, s0  }
0xc7: {  	[sflag:s0] =	ssyncadd.tile.s32 @!p0 $0x1;
	_ =	shalt  }
.Lfunc_end2:
_tile_overlayer_lowered:
.L_overlay_start_2:
0xc8: {  	(tag) =	ssettag $0x2  }
0xc9: {  	s0 =	rddreg [dreg:$0x0];
	s2 =	stileid.u32  }
0xca: {  	s1 =	rddreg [dreg:$0x1];
	p0 =	sne.s32 s2, $0x0  }
0xcb: {  	s3 =	rddreg [dreg:$0x2];
	[bflag:$0x3] =	sbarrier.arrive $0xFFFF;
	s2 =	simm.s32 @!p0 $0x1C07  }
0xcc: {  	[timem:s3], [sflag:s2] =	dma.local @!p0 [hbm:s0], s1  }
0xcd: {  	s0 =	simm.s32 @!p0 $0x7  }
0xce: {  	_ =	swait.ge @!p0 [sflag:s0], s1  }
0xcf: {  	s1 =	ssub.s32 @!p0 $0x0, s1;
	[sflag:s0] =	ssyncset.done @!p0 $0x0  }
0xd0: {  	[sflag:s0] =	ssyncadd.s32 @!p0 s1  }
0xd1: {  	[bflag:$0x3] =	sbarrier.arrive $0xFFFF  }
0xd2: {  	_ =	shalt  }

</sc_bundles>
